<compile_context>
chip_gen: v7x
topology: tpu7x:2x2x1
jax: 0.10.2.dev20260603
libtpu: 0.0.44.dev20260713+nightly
codegen_flags: <defaults>
</compile_context>

<pallas_src>
import functools

import jax
import jax.numpy as jnp
from jax import lax
from jax.experimental import pallas as pl
from jax.experimental.pallas import tpu as pltpu
from jax.experimental.pallas import tpu_sc as plsc

_CHUNK = 64
_BLOCK_T = 8192
_NBUF = 6
_NPRE = 4


def _sc_gather(tokens_3d, emb_table, n_chunks, chunk):
    info = plsc.get_sparse_core_info()
    nw = info.num_cores * info.num_subcores
    t = nw * n_chunks * chunk
    d = emb_table.shape[1]
    per_w = n_chunks * chunk
    mesh = plsc.VectorSubcoreMesh(core_axis_name="c", subcore_axis_name="s")

    @functools.partial(
        pl.kernel,
        mesh=mesh,
        out_type=jax.ShapeDtypeStruct((t, d), jnp.float32),
        scratch_types=[
            pltpu.VMEM((n_chunks, chunk), jnp.int32),
        ]
        + [pltpu.VMEM((chunk, d), jnp.float32) for _ in range(_NBUF)]
        + [pltpu.SemaphoreType.DMA for _ in range(2 * _NBUF)],
    )
    def gather_kernel(tok_hbm, table_hbm, out_hbm, idx_v, *bufs_sems):
        bufs = bufs_sems[:_NBUF]
        gsems = bufs_sems[_NBUF : 2 * _NBUF]
        wsems = bufs_sems[2 * _NBUF :]
        wid = lax.axis_index("s") * info.num_cores + lax.axis_index("c")
        base = wid * per_w
        pltpu.sync_copy(tok_hbm.at[wid], idx_v)
        gcp = [None] * _NBUF
        wcp = [None] * _NBUF
        n_pre = min(_NPRE, n_chunks)
        for c in range(n_pre):
            gcp[c % _NBUF] = pltpu.async_copy(
                table_hbm.at[idx_v.at[c]], bufs[c % _NBUF], gsems[c % _NBUF]
            )
        for c in range(n_chunks):
            s = c % _NBUF
            gcp[s].wait()
            wcp[s] = pltpu.async_copy(
                bufs[s], out_hbm.at[pl.ds(base + c * chunk, chunk)], wsems[s]
            )
            nxt = c + n_pre
            if nxt < n_chunks:
                sn = nxt % _NBUF
                if wcp[sn] is not None:
                    wcp[sn].wait()
                gcp[sn] = pltpu.async_copy(
                    table_hbm.at[idx_v.at[nxt]], bufs[sn], gsems[sn]
                )
        for s in range(_NBUF):
            if wcp[s] is not None:
                wcp[s].wait()

    return gather_kernel(tokens_3d, emb_table)


def _tc_compute(emb, cu_seqlens, W, block_t, t_offset=0, prev=None, final=True):
    t, d = emb.shape
    b = cu_seqlens.shape[0] - 1
    grid = t // block_t

    def body(cu_ref, emb_ref, w_ref, *rest):
        if prev is not None:
            prev_ref, out_ref, acc_ref = rest
        else:
            prev_ref = None
            out_ref, acc_ref = rest
        g = pl.program_id(0)

        @pl.when(g == 0)
        def _init():
            acc_ref[...] = jnp.zeros_like(acc_ref)

        e = emb_ref[...]
        logits = jnp.dot(
            e.astype(jnp.bfloat16),
            w_ref[...].astype(jnp.bfloat16),
            preferred_element_type=jnp.float32,
        )
        gate = 0.5 * jnp.tanh(0.5 * logits) + 0.5
        h = e * gate

        pos = t_offset + g * block_t + lax.broadcasted_iota(jnp.int32, (1, block_t), 1)
        seg = jnp.zeros((1, block_t), jnp.int32)
        for j in range(1, b):
            seg = seg + (pos >= cu_ref[j]).astype(jnp.int32)
        onehot = (lax.broadcasted_iota(jnp.int32, (b, block_t), 0) == seg).astype(
            jnp.bfloat16
        )
        acc_ref[...] += jnp.dot(
            onehot, h.astype(jnp.bfloat16), preferred_element_type=jnp.float32
        )

        @pl.when(g == grid - 1)
        def _fin():
            total = acc_ref[...]
            if prev_ref is not None:
                total = total + prev_ref[...]
            if final:
                rid = lax.broadcasted_iota(jnp.int32, (b, 1), 0)
                lens = jnp.zeros((b, 1), jnp.float32)
                for j in range(b):
                    lens = lens + jnp.where(
                        rid == j, (cu_ref[j + 1] - cu_ref[j]).astype(jnp.float32), 0.0
                    )
                total = total / jnp.maximum(lens, 1.0)
            out_ref[...] = total

    in_specs = [
        pl.BlockSpec((block_t, d), lambda g, cu: (g, 0)),
        pl.BlockSpec((d, d), lambda g, cu: (0, 0)),
    ]
    args = [cu_seqlens, emb, W]
    if prev is not None:
        in_specs.append(pl.BlockSpec((b, d), lambda g, cu: (0, 0)))
        args.append(prev)
    return pl.pallas_call(
        body,
        grid_spec=pltpu.PrefetchScalarGridSpec(
            num_scalar_prefetch=1,
            grid=(grid,),
            in_specs=in_specs,
            out_specs=pl.BlockSpec((b, d), lambda g, cu: (0, 0)),
            scratch_shapes=[pltpu.VMEM((b, d), jnp.float32)],
        ),
        out_shape=jax.ShapeDtypeStruct((b, d), jnp.float32),
    )(*args)


def kernel(tokens, cu_seqlens, emb_table, W):
    t = tokens.shape[0]
    info = plsc.get_sparse_core_info()
    nw = info.num_cores * info.num_subcores
    n_chunks = t // (nw * _CHUNK)
    emb = _sc_gather(tokens.reshape(nw, n_chunks, _CHUNK), emb_table, n_chunks, _CHUNK)
    return _tc_compute(emb, cu_seqlens, W, block_t=_BLOCK_T)

# --- scband reference (transcript-rebuilt; emitter-appended) ---
"""Pipeline reference for scband-fixed-stack-rnng-89094801588644 (READ-ONLY COPY).

The authoritative reference and input builder live on the scoring server;
editing this copy changes nothing except your own understanding.
"""

import jax, jax.numpy as jnp
import numpy as np

VOCAB = 50000
D = 256
B = 16
T = 32768


def setup_inputs(seed: int = 0) -> dict:
    key = jax.random.key(seed)
    k1, k2, k3, k4 = jax.random.split(key, 4)
    tokens = jax.random.randint(k1, (T,), 0, VOCAB, dtype=jnp.int32)
    cu = jnp.sort(jax.random.randint(k2, (B + 1,), 0, T, dtype=jnp.int32))
    cu = cu.at[0].set(0).at[B].set(T)
    emb_table = jax.random.normal(k3, (VOCAB, D), dtype=jnp.float32) * 0.02
    W = jax.random.normal(k4, (D, D), dtype=jnp.float32) * (1.0 / np.sqrt(D))
    return {"tokens": tokens, "cu_seqlens": cu, "emb_table": emb_table, "W": W}


def reference(tokens, cu_seqlens, emb_table, W):
    # Ragged sentence batch processed flat: embedding gather over the full
    # vocabulary table, gated per-token transform (stack-cell surrogate), then
    # per-sentence segment reduction (buffer/stack aggregation of the RNNG).
    t = tokens.shape[0]
    b = cu_seqlens.shape[0] - 1
    positions = jnp.arange(t, dtype=jnp.int32)
    seg_ids = jnp.clip(jnp.searchsorted(cu_seqlens, positions, side="right") - 1, 0, b - 1)
    emb = jnp.take(emb_table, tokens, axis=0)            # [T, D] gather (memory-bound)
    gate = jax.nn.sigmoid(emb @ W)                        # light compute per token
    h = emb * gate
    pooled = jax.ops.segment_sum(h, seg_ids, num_segments=b)  # [B, D] scatter-add
    lengths = (cu_seqlens[1:] - cu_seqlens[:-1]).astype(jnp.float32)
    out = pooled / jnp.maximum(lengths, 1.0)[:, None]
    return out

if __name__ == "__main__":
    import jax
    _d = setup_inputs()
    print(jax.jit(kernel)(*tuple(_d.values())))

</pallas_src>

<mosaic_0001>
#map = affine_map<(d0, d1) -> (0, 0, 0)>
#map1 = affine_map<(d0, d1) -> (0, 0)>
module attributes {stable_mosaic.version = 14 : i64} {
  func.func @gather_kernel(%arg0: i32, %arg1: i32, %arg2: memref<32x16x64xi32, #tpu.memory_space<hbm>>, %arg3: memref<50000x256xf32, #tpu.memory_space<hbm>>, %arg4: memref<32768x256xf32, #tpu.memory_space<hbm>>, %arg5: memref<16x64xi32, #tpu.memory_space<vmem>>, %arg6: memref<64x256xf32, #tpu.memory_space<vmem>>, %arg7: memref<64x256xf32, #tpu.memory_space<vmem>>, %arg8: memref<64x256xf32, #tpu.memory_space<vmem>>, %arg9: memref<64x256xf32, #tpu.memory_space<vmem>>, %arg10: memref<64x256xf32, #tpu.memory_space<vmem>>, %arg11: memref<64x256xf32, #tpu.memory_space<vmem>>, %arg12: memref<!tpu.dma_semaphore, #tpu.memory_space<semaphore_mem>>, %arg13: memref<!tpu.dma_semaphore, #tpu.memory_space<semaphore_mem>>, %arg14: memref<!tpu.dma_semaphore, #tpu.memory_space<semaphore_mem>>, %arg15: memref<!tpu.dma_semaphore, #tpu.memory_space<semaphore_mem>>, %arg16: memref<!tpu.dma_semaphore, #tpu.memory_space<semaphore_mem>>, %arg17: memref<!tpu.dma_semaphore, #tpu.memory_space<semaphore_mem>>, %arg18: memref<!tpu.dma_semaphore, #tpu.memory_space<semaphore_mem>>, %arg19: memref<!tpu.dma_semaphore, #tpu.memory_space<semaphore_mem>>, %arg20: memref<!tpu.dma_semaphore, #tpu.memory_space<semaphore_mem>>, %arg21: memref<!tpu.dma_semaphore, #tpu.memory_space<semaphore_mem>>, %arg22: memref<!tpu.dma_semaphore, #tpu.memory_space<semaphore_mem>>, %arg23: memref<!tpu.dma_semaphore, #tpu.memory_space<semaphore_mem>>) attributes {dimension_semantics = [#tpu.dimension_semantics<core_parallel>, #tpu.dimension_semantics<subcore_parallel>], iteration_bounds = array<i64: 2, 16>, scalar_prefetch = 0 : i64, scratch_operands = 19 : i64, tpu.core_type = #tpu.core_type<sc_vector_subcore>, window_params = [{transform_indices = #map}, {transform_indices = #map1}, {transform_indices = #map1}]} {
    %mul3A = arith.constant 2 : i32
    %mul3A_0 = arith.muli %arg1, %mul3A : i32
    %add3A = arith.addi %mul3A_0, %arg0 : i32
    %mul3A_1 = arith.constant 1024 : i32
    %mul3A_2 = arith.muli %add3A, %mul3A_1 : i32
    "tpu.region"() ({
      %run_scoped3A = tpu.sem_alloc : memref<!tpu.dma_semaphore, #tpu.memory_space<semaphore_mem>>
      %dma_start3A_385 = arith.constant 0 : i32
      %dma_start3A_386 = arith.constant 0 : i32
      %dma_start3A_387 = tpu.memref_slice %arg2[%add3A, %dma_start3A_385, %dma_start3A_386] : memref<32x16x64xi32, #tpu.memory_space<hbm>> -> memref<1x16x64xi32, #tpu.memory_space<hbm>>
      %dma_start3A_388 = tpu.memref_squeeze %dma_start3A_387 : memref<1x16x64xi32, #tpu.memory_space<hbm>> -> memref<16x64xi32, #tpu.memory_space<hbm>>
      %dma_start3A_389 = arith.constant 0 : i32
      %dma_start3A_390 = arith.constant 0 : i32
      %dma_start3A_391 = tpu.memref_slice %arg2[%add3A, %dma_start3A_389, %dma_start3A_390] : memref<32x16x64xi32, #tpu.memory_space<hbm>> -> memref<1x16x64xi32, #tpu.memory_space<hbm>>
      %dma_start3A_392 = tpu.memref_squeeze %dma_start3A_391 : memref<1x16x64xi32, #tpu.memory_space<hbm>> -> memref<16x64xi32, #tpu.memory_space<hbm>>
      tpu.enqueue_dma source(%dma_start3A_392 : memref<16x64xi32, #tpu.memory_space<hbm>>) target(%arg5 : memref<16x64xi32, #tpu.memory_space<vmem>>) target_semaphore(%run_scoped3A : memref<!tpu.dma_semaphore, #tpu.memory_space<semaphore_mem>>)
      %dma_wait3A_393 = arith.constant 0 : i32
      %dma_wait3A_394 = arith.constant 0 : i32
      %dma_wait3A_395 = tpu.memref_slice %arg2[%add3A, %dma_wait3A_393, %dma_wait3A_394] : memref<32x16x64xi32, #tpu.memory_space<hbm>> -> memref<1x16x64xi32, #tpu.memory_space<hbm>>
      %dma_wait3A_396 = tpu.memref_squeeze %dma_wait3A_395 : memref<1x16x64xi32, #tpu.memory_space<hbm>> -> memref<16x64xi32, #tpu.memory_space<hbm>>
      %dma_wait3A_397 = arith.constant 0 : i32
      %dma_wait3A_398 = arith.constant 0 : i32
      %dma_wait3A_399 = tpu.memref_slice %arg2[%add3A, %dma_wait3A_397, %dma_wait3A_398] : memref<32x16x64xi32, #tpu.memory_space<hbm>> -> memref<1x16x64xi32, #tpu.memory_space<hbm>>
      %dma_wait3A_400 = tpu.memref_squeeze %dma_wait3A_399 : memref<1x16x64xi32, #tpu.memory_space<hbm>> -> memref<16x64xi32, #tpu.memory_space<hbm>>
      tpu.wait_dma2 semaphore(%run_scoped3A : memref<!tpu.dma_semaphore, #tpu.memory_space<semaphore_mem>>) src(%dma_wait3A_400 : memref<16x64xi32, #tpu.memory_space<hbm>>) dst(%arg5 : memref<16x64xi32, #tpu.memory_space<vmem>>)
      tpu.yield
    }) : () -> ()
    %dma_start3A = arith.constant 0 : i32
    %dma_start3A_3 = arith.constant 0 : i32
    %dma_start3A_4 = tpu.memref_slice %arg5[%dma_start3A, %dma_start3A_3] : memref<16x64xi32, #tpu.memory_space<vmem>> -> memref<1x64xi32, #tpu.memory_space<vmem>>
    %dma_start3A_5 = tpu.memref_squeeze %dma_start3A_4 : memref<1x64xi32, #tpu.memory_space<vmem>> -> memref<64xi32, #tpu.memory_space<vmem>>
    %dma_start3A_6 = arith.constant 0 : i32
    %dma_start3A_7 = arith.constant 0 : i32
    %dma_start3A_8 = tpu.memref_slice %arg3[%dma_start3A_6, %dma_start3A_7] : memref<50000x256xf32, #tpu.memory_space<hbm>> -> memref<50000x256xf32, #tpu.memory_space<hbm>>
    tpu.enqueue_indirect_dma source(%dma_start3A_8 : memref<50000x256xf32, #tpu.memory_space<hbm>>) target(%arg6 : memref<64x256xf32, #tpu.memory_space<vmem>>) offsets(%dma_start3A_5 : memref<64xi32, #tpu.memory_space<vmem>>) semaphore(%arg12 : memref<!tpu.dma_semaphore, #tpu.memory_space<semaphore_mem>>)
    %dma_start3A_9 = arith.constant 1 : i32
    %dma_start3A_10 = arith.constant 0 : i32
    %dma_start3A_11 = tpu.memref_slice %arg5[%dma_start3A_9, %dma_start3A_10] : memref<16x64xi32, #tpu.memory_space<vmem>> -> memref<1x64xi32, #tpu.memory_space<vmem>>
    %dma_start3A_12 = tpu.memref_squeeze %dma_start3A_11 : memref<1x64xi32, #tpu.memory_space<vmem>> -> memref<64xi32, #tpu.memory_space<vmem>>
    %dma_start3A_13 = arith.constant 0 : i32
    %dma_start3A_14 = arith.constant 0 : i32
    %dma_start3A_15 = tpu.memref_slice %arg3[%dma_start3A_13, %dma_start3A_14] : memref<50000x256xf32, #tpu.memory_space<hbm>> -> memref<50000x256xf32, #tpu.memory_space<hbm>>
    tpu.enqueue_indirect_dma source(%dma_start3A_15 : memref<50000x256xf32, #tpu.memory_space<hbm>>) target(%arg7 : memref<64x256xf32, #tpu.memory_space<vmem>>) offsets(%dma_start3A_12 : memref<64xi32, #tpu.memory_space<vmem>>) semaphore(%arg13 : memref<!tpu.dma_semaphore, #tpu.memory_space<semaphore_mem>>)
    %dma_start3A_16 = arith.constant 2 : i32
    %dma_start3A_17 = arith.constant 0 : i32
    %dma_start3A_18 = tpu.memref_slice %arg5[%dma_start3A_16, %dma_start3A_17] : memref<16x64xi32, #tpu.memory_space<vmem>> -> memref<1x64xi32, #tpu.memory_space<vmem>>
    %dma_start3A_19 = tpu.memref_squeeze %dma_start3A_18 : memref<1x64xi32, #tpu.memory_space<vmem>> -> memref<64xi32, #tpu.memory_space<vmem>>
    %dma_start3A_20 = arith.constant 0 : i32
    %dma_start3A_21 = arith.constant 0 : i32
    %dma_start3A_22 = tpu.memref_slice %arg3[%dma_start3A_20, %dma_start3A_21] : memref<50000x256xf32, #tpu.memory_space<hbm>> -> memref<50000x256xf32, #tpu.memory_space<hbm>>
    tpu.enqueue_indirect_dma source(%dma_start3A_22 : memref<50000x256xf32, #tpu.memory_space<hbm>>) target(%arg8 : memref<64x256xf32, #tpu.memory_space<vmem>>) offsets(%dma_start3A_19 : memref<64xi32, #tpu.memory_space<vmem>>) semaphore(%arg14 : memref<!tpu.dma_semaphore, #tpu.memory_space<semaphore_mem>>)
    %dma_start3A_23 = arith.constant 3 : i32
    %dma_start3A_24 = arith.constant 0 : i32
    %dma_start3A_25 = tpu.memref_slice %arg5[%dma_start3A_23, %dma_start3A_24] : memref<16x64xi32, #tpu.memory_space<vmem>> -> memref<1x64xi32, #tpu.memory_space<vmem>>
    %dma_start3A_26 = tpu.memref_squeeze %dma_start3A_25 : memref<1x64xi32, #tpu.memory_space<vmem>> -> memref<64xi32, #tpu.memory_space<vmem>>
    %dma_start3A_27 = arith.constant 0 : i32
    %dma_start3A_28 = arith.constant 0 : i32
    %dma_start3A_29 = tpu.memref_slice %arg3[%dma_start3A_27, %dma_start3A_28] : memref<50000x256xf32, #tpu.memory_space<hbm>> -> memref<50000x256xf32, #tpu.memory_space<hbm>>
    tpu.enqueue_indirect_dma source(%dma_start3A_29 : memref<50000x256xf32, #tpu.memory_space<hbm>>) target(%arg9 : memref<64x256xf32, #tpu.memory_space<vmem>>) offsets(%dma_start3A_26 : memref<64xi32, #tpu.memory_space<vmem>>) semaphore(%arg15 : memref<!tpu.dma_semaphore, #tpu.memory_space<semaphore_mem>>)
    %dma_wait3A = arith.constant 0 : i32
    %dma_wait3A_30 = arith.constant 0 : i32
    %dma_wait3A_31 = tpu.memref_slice %arg5[%dma_wait3A, %dma_wait3A_30] : memref<16x64xi32, #tpu.memory_space<vmem>> -> memref<1x64xi32, #tpu.memory_space<vmem>>
    %dma_wait3A_32 = tpu.memref_squeeze %dma_wait3A_31 : memref<1x64xi32, #tpu.memory_space<vmem>> -> memref<64xi32, #tpu.memory_space<vmem>>
    %dma_wait3A_33 = arith.constant 0 : i32
    %dma_wait3A_34 = arith.constant 0 : i32
    %dma_wait3A_35 = tpu.memref_slice %arg3[%dma_wait3A_33, %dma_wait3A_34] : memref<50000x256xf32, #tpu.memory_space<hbm>> -> memref<50000x256xf32, #tpu.memory_space<hbm>>
    tpu.wait_indirect_dma semaphore(%arg12 : memref<!tpu.dma_semaphore, #tpu.memory_space<semaphore_mem>>) src(%dma_wait3A_35 : memref<50000x256xf32, #tpu.memory_space<hbm>>) dst(%arg6 : memref<64x256xf32, #tpu.memory_space<vmem>>)
    %add3A_36 = arith.constant 0 : i32
    %add3A_37 = arith.addi %mul3A_2, %add3A_36 : i32
    %dma_start3A_38 = arith.constant 0 : i32
    %dma_start3A_39 = tpu.memref_slice %arg4[%add3A_37, %dma_start3A_38] : memref<32768x256xf32, #tpu.memory_space<hbm>> -> memref<64x256xf32, #tpu.memory_space<hbm>>
    %dma_start3A_40 = arith.constant 0 : i32
    %dma_start3A_41 = tpu.memref_slice %arg4[%add3A_37, %dma_start3A_40] : memref<32768x256xf32, #tpu.memory_space<hbm>> -> memref<64x256xf32, #tpu.memory_space<hbm>>
    tpu.enqueue_dma source(%arg6 : memref<64x256xf32, #tpu.memory_space<vmem>>) target(%dma_start3A_41 : memref<64x256xf32, #tpu.memory_space<hbm>>) target_semaphore(%arg18 : memref<!tpu.dma_semaphore, #tpu.memory_space<semaphore_mem>>)
    %dma_start3A_42 = arith.constant 4 : i32
    %dma_start3A_43 = arith.constant 0 : i32
    %dma_start3A_44 = tpu.memref_slice %arg5[%dma_start3A_42, %dma_start3A_43] : memref<16x64xi32, #tpu.memory_space<vmem>> -> memref<1x64xi32, #tpu.memory_space<vmem>>
    %dma_start3A_45 = tpu.memref_squeeze %dma_start3A_44 : memref<1x64xi32, #tpu.memory_space<vmem>> -> memref<64xi32, #tpu.memory_space<vmem>>
    %dma_start3A_46 = arith.constant 0 : i32
    %dma_start3A_47 = arith.constant 0 : i32
    %dma_start3A_48 = tpu.memref_slice %arg3[%dma_start3A_46, %dma_start3A_47] : memref<50000x256xf32, #tpu.memory_space<hbm>> -> memref<50000x256xf32, #tpu.memory_space<hbm>>
    tpu.enqueue_indirect_dma source(%dma_start3A_48 : memref<50000x256xf32, #tpu.memory_space<hbm>>) target(%arg10 : memref<64x256xf32, #tpu.memory_space<vmem>>) offsets(%dma_start3A_45 : memref<64xi32, #tpu.memory_space<vmem>>) semaphore(%arg16 : memref<!tpu.dma_semaphore, #tpu.memory_space<semaphore_mem>>)
    %dma_wait3A_49 = arith.constant 1 : i32
    %dma_wait3A_50 = arith.constant 0 : i32
    %dma_wait3A_51 = tpu.memref_slice %arg5[%dma_wait3A_49, %dma_wait3A_50] : memref<16x64xi32, #tpu.memory_space<vmem>> -> memref<1x64xi32, #tpu.memory_space<vmem>>
    %dma_wait3A_52 = tpu.memref_squeeze %dma_wait3A_51 : memref<1x64xi32, #tpu.memory_space<vmem>> -> memref<64xi32, #tpu.memory_space<vmem>>
    %dma_wait3A_53 = arith.constant 0 : i32
    %dma_wait3A_54 = arith.constant 0 : i32
    %dma_wait3A_55 = tpu.memref_slice %arg3[%dma_wait3A_53, %dma_wait3A_54] : memref<50000x256xf32, #tpu.memory_space<hbm>> -> memref<50000x256xf32, #tpu.memory_space<hbm>>
    tpu.wait_indirect_dma semaphore(%arg13 : memref<!tpu.dma_semaphore, #tpu.memory_space<semaphore_mem>>) src(%dma_wait3A_55 : memref<50000x256xf32, #tpu.memory_space<hbm>>) dst(%arg7 : memref<64x256xf32, #tpu.memory_space<vmem>>)
    %add3A_56 = arith.constant 64 : i32
    %add3A_57 = arith.addi %mul3A_2, %add3A_56 : i32
    %dma_start3A_58 = arith.constant 0 : i32
    %dma_start3A_59 = tpu.memref_slice %arg4[%add3A_57, %dma_start3A_58] : memref<32768x256xf32, #tpu.memory_space<hbm>> -> memref<64x256xf32, #tpu.memory_space<hbm>>
    %dma_start3A_60 = arith.constant 0 : i32
    %dma_start3A_61 = tpu.memref_slice %arg4[%add3A_57, %dma_start3A_60] : memref<32768x256xf32, #tpu.memory_space<hbm>> -> memref<64x256xf32, #tpu.memory_space<hbm>>
    tpu.enqueue_dma source(%arg7 : memref<64x256xf32, #tpu.memory_space<vmem>>) target(%dma_start3A_61 : memref<64x256xf32, #tpu.memory_space<hbm>>) target_semaphore(%arg19 : memref<!tpu.dma_semaphore, #tpu.memory_space<semaphore_mem>>)
    %dma_start3A_62 = arith.constant 5 : i32
    %dma_start3A_63 = arith.constant 0 : i32
    %dma_start3A_64 = tpu.memref_slice %arg5[%dma_start3A_62, %dma_start3A_63] : memref<16x64xi32, #tpu.memory_space<vmem>> -> memref<1x64xi32, #tpu.memory_space<vmem>>
    %dma_start3A_65 = tpu.memref_squeeze %dma_start3A_64 : memref<1x64xi32, #tpu.memory_space<vmem>> -> memref<64xi32, #tpu.memory_space<vmem>>
    %dma_start3A_66 = arith.constant 0 : i32
    %dma_start3A_67 = arith.constant 0 : i32
    %dma_start3A_68 = tpu.memref_slice %arg3[%dma_start3A_66, %dma_start3A_67] : memref<50000x256xf32, #tpu.memory_space<hbm>> -> memref<50000x256xf32, #tpu.memory_space<hbm>>
    tpu.enqueue_indirect_dma source(%dma_start3A_68 : memref<50000x256xf32, #tpu.memory_space<hbm>>) target(%arg11 : memref<64x256xf32, #tpu.memory_space<vmem>>) offsets(%dma_start3A_65 : memref<64xi32, #tpu.memory_space<vmem>>) semaphore(%arg17 : memref<!tpu.dma_semaphore, #tpu.memory_space<semaphore_mem>>)
    %dma_wait3A_69 = arith.constant 2 : i32
    %dma_wait3A_70 = arith.constant 0 : i32
    %dma_wait3A_71 = tpu.memref_slice %arg5[%dma_wait3A_69, %dma_wait3A_70] : memref<16x64xi32, #tpu.memory_space<vmem>> -> memref<1x64xi32, #tpu.memory_space<vmem>>
    %dma_wait3A_72 = tpu.memref_squeeze %dma_wait3A_71 : memref<1x64xi32, #tpu.memory_space<vmem>> -> memref<64xi32, #tpu.memory_space<vmem>>
    %dma_wait3A_73 = arith.constant 0 : i32
    %dma_wait3A_74 = arith.constant 0 : i32
    %dma_wait3A_75 = tpu.memref_slice %arg3[%dma_wait3A_73, %dma_wait3A_74] : memref<50000x256xf32, #tpu.memory_space<hbm>> -> memref<50000x256xf32, #tpu.memory_space<hbm>>
    tpu.wait_indirect_dma semaphore(%arg14 : memref<!tpu.dma_semaphore, #tpu.memory_space<semaphore_mem>>) src(%dma_wait3A_75 : memref<50000x256xf32, #tpu.memory_space<hbm>>) dst(%arg8 : memref<64x256xf32, #tpu.memory_space<vmem>>)
    %add3A_76 = arith.constant 128 : i32
    %add3A_77 = arith.addi %mul3A_2, %add3A_76 : i32
    %dma_start3A_78 = arith.constant 0 : i32
    %dma_start3A_79 = tpu.memref_slice %arg4[%add3A_77, %dma_start3A_78] : memref<32768x256xf32, #tpu.memory_space<hbm>> -> memref<64x256xf32, #tpu.memory_space<hbm>>
    %dma_start3A_80 = arith.constant 0 : i32
    %dma_start3A_81 = tpu.memref_slice %arg4[%add3A_77, %dma_start3A_80] : memref<32768x256xf32, #tpu.memory_space<hbm>> -> memref<64x256xf32, #tpu.memory_space<hbm>>
    tpu.enqueue_dma source(%arg8 : memref<64x256xf32, #tpu.memory_space<vmem>>) target(%dma_start3A_81 : memref<64x256xf32, #tpu.memory_space<hbm>>) target_semaphore(%arg20 : memref<!tpu.dma_semaphore, #tpu.memory_space<semaphore_mem>>)
    %dma_wait3A_82 = arith.constant 0 : i32
    %dma_wait3A_83 = tpu.memref_slice %arg4[%add3A_37, %dma_wait3A_82] : memref<32768x256xf32, #tpu.memory_space<hbm>> -> memref<64x256xf32, #tpu.memory_space<hbm>>
    %dma_wait3A_84 = arith.constant 0 : i32
    %dma_wait3A_85 = tpu.memref_slice %arg4[%add3A_37, %dma_wait3A_84] : memref<32768x256xf32, #tpu.memory_space<hbm>> -> memref<64x256xf32, #tpu.memory_space<hbm>>
    tpu.wait_dma2 semaphore(%arg18 : memref<!tpu.dma_semaphore, #tpu.memory_space<semaphore_mem>>) src(%arg6 : memref<64x256xf32, #tpu.memory_space<vmem>>) dst(%dma_wait3A_85 : memref<64x256xf32, #tpu.memory_space<hbm>>)
    %dma_start3A_86 = arith.constant 6 : i32
    %dma_start3A_87 = arith.constant 0 : i32
    %dma_start3A_88 = tpu.memref_slice %arg5[%dma_start3A_86, %dma_start3A_87] : memref<16x64xi32, #tpu.memory_space<vmem>> -> memref<1x64xi32, #tpu.memory_space<vmem>>
    %dma_start3A_89 = tpu.memref_squeeze %dma_start3A_88 : memref<1x64xi32, #tpu.memory_space<vmem>> -> memref<64xi32, #tpu.memory_space<vmem>>
    %dma_start3A_90 = arith.constant 0 : i32
    %dma_start3A_91 = arith.constant 0 : i32
    %dma_start3A_92 = tpu.memref_slice %arg3[%dma_start3A_90, %dma_start3A_91] : memref<50000x256xf32, #tpu.memory_space<hbm>> -> memref<50000x256xf32, #tpu.memory_space<hbm>>
    tpu.enqueue_indirect_dma source(%dma_start3A_92 : memref<50000x256xf32, #tpu.memory_space<hbm>>) target(%arg6 : memref<64x256xf32, #tpu.memory_space<vmem>>) offsets(%dma_start3A_89 : memref<64xi32, #tpu.memory_space<vmem>>) semaphore(%arg12 : memref<!tpu.dma_semaphore, #tpu.memory_space<semaphore_mem>>)
    %dma_wait3A_93 = arith.constant 3 : i32
    %dma_wait3A_94 = arith.constant 0 : i32
    %dma_wait3A_95 = tpu.memref_slice %arg5[%dma_wait3A_93, %dma_wait3A_94] : memref<16x64xi32, #tpu.memory_space<vmem>> -> memref<1x64xi32, #tpu.memory_space<vmem>>
    %dma_wait3A_96 = tpu.memref_squeeze %dma_wait3A_95 : memref<1x64xi32, #tpu.memory_space<vmem>> -> memref<64xi32, #tpu.memory_space<vmem>>
    %dma_wait3A_97 = arith.constant 0 : i32
    %dma_wait3A_98 = arith.constant 0 : i32
    %dma_wait3A_99 = tpu.memref_slice %arg3[%dma_wait3A_97, %dma_wait3A_98] : memref<50000x256xf32, #tpu.memory_space<hbm>> -> memref<50000x256xf32, #tpu.memory_space<hbm>>
    tpu.wait_indirect_dma semaphore(%arg15 : memref<!tpu.dma_semaphore, #tpu.memory_space<semaphore_mem>>) src(%dma_wait3A_99 : memref<50000x256xf32, #tpu.memory_space<hbm>>) dst(%arg9 : memref<64x256xf32, #tpu.memory_space<vmem>>)
    %add3A_100 = arith.constant 192 : i32
    %add3A_101 = arith.addi %mul3A_2, %add3A_100 : i32
    %dma_start3A_102 = arith.constant 0 : i32
    %dma_start3A_103 = tpu.memref_slice %arg4[%add3A_101, %dma_start3A_102] : memref<32768x256xf32, #tpu.memory_space<hbm>> -> memref<64x256xf32, #tpu.memory_space<hbm>>
    %dma_start3A_104 = arith.constant 0 : i32
    %dma_start3A_105 = tpu.memref_slice %arg4[%add3A_101, %dma_start3A_104] : memref<32768x256xf32, #tpu.memory_space<hbm>> -> memref<64x256xf32, #tpu.memory_space<hbm>>
    tpu.enqueue_dma source(%arg9 : memref<64x256xf32, #tpu.memory_space<vmem>>) target(%dma_start3A_105 : memref<64x256xf32, #tpu.memory_space<hbm>>) target_semaphore(%arg21 : memref<!tpu.dma_semaphore, #tpu.memory_space<semaphore_mem>>)
    %dma_wait3A_106 = arith.constant 0 : i32
    %dma_wait3A_107 = tpu.memref_slice %arg4[%add3A_57, %dma_wait3A_106] : memref<32768x256xf32, #tpu.memory_space<hbm>> -> memref<64x256xf32, #tpu.memory_space<hbm>>
    %dma_wait3A_108 = arith.constant 0 : i32
    %dma_wait3A_109 = tpu.memref_slice %arg4[%add3A_57, %dma_wait3A_108] : memref<32768x256xf32, #tpu.memory_space<hbm>> -> memref<64x256xf32, #tpu.memory_space<hbm>>
    tpu.wait_dma2 semaphore(%arg19 : memref<!tpu.dma_semaphore, #tpu.memory_space<semaphore_mem>>) src(%arg7 : memref<64x256xf32, #tpu.memory_space<vmem>>) dst(%dma_wait3A_109 : memref<64x256xf32, #tpu.memory_space<hbm>>)
    %dma_start3A_110 = arith.constant 7 : i32
    %dma_start3A_111 = arith.constant 0 : i32
    %dma_start3A_112 = tpu.memref_slice %arg5[%dma_start3A_110, %dma_start3A_111] : memref<16x64xi32, #tpu.memory_space<vmem>> -> memref<1x64xi32, #tpu.memory_space<vmem>>
    %dma_start3A_113 = tpu.memref_squeeze %dma_start3A_112 : memref<1x64xi32, #tpu.memory_space<vmem>> -> memref<64xi32, #tpu.memory_space<vmem>>
    %dma_start3A_114 = arith.constant 0 : i32
    %dma_start3A_115 = arith.constant 0 : i32
    %dma_start3A_116 = tpu.memref_slice %arg3[%dma_start3A_114, %dma_start3A_115] : memref<50000x256xf32, #tpu.memory_space<hbm>> -> memref<50000x256xf32, #tpu.memory_space<hbm>>
    tpu.enqueue_indirect_dma source(%dma_start3A_116 : memref<50000x256xf32, #tpu.memory_space<hbm>>) target(%arg7 : memref<64x256xf32, #tpu.memory_space<vmem>>) offsets(%dma_start3A_113 : memref<64xi32, #tpu.memory_space<vmem>>) semaphore(%arg13 : memref<!tpu.dma_semaphore, #tpu.memory_space<semaphore_mem>>)
    %dma_wait3A_117 = arith.constant 4 : i32
    %dma_wait3A_118 = arith.constant 0 : i32
    %dma_wait3A_119 = tpu.memref_slice %arg5[%dma_wait3A_117, %dma_wait3A_118] : memref<16x64xi32, #tpu.memory_space<vmem>> -> memref<1x64xi32, #tpu.memory_space<vmem>>
    %dma_wait3A_120 = tpu.memref_squeeze %dma_wait3A_119 : memref<1x64xi32, #tpu.memory_space<vmem>> -> memref<64xi32, #tpu.memory_space<vmem>>
    %dma_wait3A_121 = arith.constant 0 : i32
    %dma_wait3A_122 = arith.constant 0 : i32
    %dma_wait3A_123 = tpu.memref_slice %arg3[%dma_wait3A_121, %dma_wait3A_122] : memref<50000x256xf32, #tpu.memory_space<hbm>> -> memref<50000x256xf32, #tpu.memory_space<hbm>>
    tpu.wait_indirect_dma semaphore(%arg16 : memref<!tpu.dma_semaphore, #tpu.memory_space<semaphore_mem>>) src(%dma_wait3A_123 : memref<50000x256xf32, #tpu.memory_space<hbm>>) dst(%arg10 : memref<64x256xf32, #tpu.memory_space<vmem>>)
    %add3A_124 = arith.constant 256 : i32
    %add3A_125 = arith.addi %mul3A_2, %add3A_124 : i32
    %dma_start3A_126 = arith.constant 0 : i32
    %dma_start3A_127 = tpu.memref_slice %arg4[%add3A_125, %dma_start3A_126] : memref<32768x256xf32, #tpu.memory_space<hbm>> -> memref<64x256xf32, #tpu.memory_space<hbm>>
    %dma_start3A_128 = arith.constant 0 : i32
    %dma_start3A_129 = tpu.memref_slice %arg4[%add3A_125, %dma_start3A_128] : memref<32768x256xf32, #tpu.memory_space<hbm>> -> memref<64x256xf32, #tpu.memory_space<hbm>>
    tpu.enqueue_dma source(%arg10 : memref<64x256xf32, #tpu.memory_space<vmem>>) target(%dma_start3A_129 : memref<64x256xf32, #tpu.memory_space<hbm>>) target_semaphore(%arg22 : memref<!tpu.dma_semaphore, #tpu.memory_space<semaphore_mem>>)
    %dma_wait3A_130 = arith.constant 0 : i32
    %dma_wait3A_131 = tpu.memref_slice %arg4[%add3A_77, %dma_wait3A_130] : memref<32768x256xf32, #tpu.memory_space<hbm>> -> memref<64x256xf32, #tpu.memory_space<hbm>>
    %dma_wait3A_132 = arith.constant 0 : i32
    %dma_wait3A_133 = tpu.memref_slice %arg4[%add3A_77, %dma_wait3A_132] : memref<32768x256xf32, #tpu.memory_space<hbm>> -> memref<64x256xf32, #tpu.memory_space<hbm>>
    tpu.wait_dma2 semaphore(%arg20 : memref<!tpu.dma_semaphore, #tpu.memory_space<semaphore_mem>>) src(%arg8 : memref<64x256xf32, #tpu.memory_space<vmem>>) dst(%dma_wait3A_133 : memref<64x256xf32, #tpu.memory_space<hbm>>)
    %dma_start3A_134 = arith.constant 8 : i32
    %dma_start3A_135 = arith.constant 0 : i32
    %dma_start3A_136 = tpu.memref_slice %arg5[%dma_start3A_134, %dma_start3A_135] : memref<16x64xi32, #tpu.memory_space<vmem>> -> memref<1x64xi32, #tpu.memory_space<vmem>>
    %dma_start3A_137 = tpu.memref_squeeze %dma_start3A_136 : memref<1x64xi32, #tpu.memory_space<vmem>> -> memref<64xi32, #tpu.memory_space<vmem>>
    %dma_start3A_138 = arith.constant 0 : i32
    %dma_start3A_139 = arith.constant 0 : i32
    %dma_start3A_140 = tpu.memref_slice %arg3[%dma_start3A_138, %dma_start3A_139] : memref<50000x256xf32, #tpu.memory_space<hbm>> -> memref<50000x256xf32, #tpu.memory_space<hbm>>
    tpu.enqueue_indirect_dma source(%dma_start3A_140 : memref<50000x256xf32, #tpu.memory_space<hbm>>) target(%arg8 : memref<64x256xf32, #tpu.memory_space<vmem>>) offsets(%dma_start3A_137 : memref<64xi32, #tpu.memory_space<vmem>>) semaphore(%arg14 : memref<!tpu.dma_semaphore, #tpu.memory_space<semaphore_mem>>)
    %dma_wait3A_141 = arith.constant 5 : i32
    %dma_wait3A_142 = arith.constant 0 : i32
    %dma_wait3A_143 = tpu.memref_slice %arg5[%dma_wait3A_141, %dma_wait3A_142] : memref<16x64xi32, #tpu.memory_space<vmem>> -> memref<1x64xi32, #tpu.memory_space<vmem>>
    %dma_wait3A_144 = tpu.memref_squeeze %dma_wait3A_143 : memref<1x64xi32, #tpu.memory_space<vmem>> -> memref<64xi32, #tpu.memory_space<vmem>>
    %dma_wait3A_145 = arith.constant 0 : i32
    %dma_wait3A_146 = arith.constant 0 : i32
    %dma_wait3A_147 = tpu.memref_slice %arg3[%dma_wait3A_145, %dma_wait3A_146] : memref<50000x256xf32, #tpu.memory_space<hbm>> -> memref<50000x256xf32, #tpu.memory_space<hbm>>
    tpu.wait_indirect_dma semaphore(%arg17 : memref<!tpu.dma_semaphore, #tpu.memory_space<semaphore_mem>>) src(%dma_wait3A_147 : memref<50000x256xf32, #tpu.memory_space<hbm>>) dst(%arg11 : memref<64x256xf32, #tpu.memory_space<vmem>>)
    %add3A_148 = arith.constant 320 : i32
    %add3A_149 = arith.addi %mul3A_2, %add3A_148 : i32
    %dma_start3A_150 = arith.constant 0 : i32
    %dma_start3A_151 = tpu.memref_slice %arg4[%add3A_149, %dma_start3A_150] : memref<32768x256xf32, #tpu.memory_space<hbm>> -> memref<64x256xf32, #tpu.memory_space<hbm>>
    %dma_start3A_152 = arith.constant 0 : i32
    %dma_start3A_153 = tpu.memref_slice %arg4[%add3A_149, %dma_start3A_152] : memref<32768x256xf32, #tpu.memory_space<hbm>> -> memref<64x256xf32, #tpu.memory_space<hbm>>
    tpu.enqueue_dma source(%arg11 : memref<64x256xf32, #tpu.memory_space<vmem>>) target(%dma_start3A_153 : memref<64x256xf32, #tpu.memory_space<hbm>>) target_semaphore(%arg23 : memref<!tpu.dma_semaphore, #tpu.memory_space<semaphore_mem>>)
    %dma_wait3A_154 = arith.constant 0 : i32
    %dma_wait3A_155 = tpu.memref_slice %arg4[%add3A_101, %dma_wait3A_154] : memref<32768x256xf32, #tpu.memory_space<hbm>> -> memref<64x256xf32, #tpu.memory_space<hbm>>
    %dma_wait3A_156 = arith.constant 0 : i32
    %dma_wait3A_157 = tpu.memref_slice %arg4[%add3A_101, %dma_wait3A_156] : memref<32768x256xf32, #tpu.memory_space<hbm>> -> memref<64x256xf32, #tpu.memory_space<hbm>>
    tpu.wait_dma2 semaphore(%arg21 : memref<!tpu.dma_semaphore, #tpu.memory_space<semaphore_mem>>) src(%arg9 : memref<64x256xf32, #tpu.memory_space<vmem>>) dst(%dma_wait3A_157 : memref<64x256xf32, #tpu.memory_space<hbm>>)
    %dma_start3A_158 = arith.constant 9 : i32
    %dma_start3A_159 = arith.constant 0 : i32
    %dma_start3A_160 = tpu.memref_slice %arg5[%dma_start3A_158, %dma_start3A_159] : memref<16x64xi32, #tpu.memory_space<vmem>> -> memref<1x64xi32, #tpu.memory_space<vmem>>
    %dma_start3A_161 = tpu.memref_squeeze %dma_start3A_160 : memref<1x64xi32, #tpu.memory_space<vmem>> -> memref<64xi32, #tpu.memory_space<vmem>>
    %dma_start3A_162 = arith.constant 0 : i32
    %dma_start3A_163 = arith.constant 0 : i32
    %dma_start3A_164 = tpu.memref_slice %arg3[%dma_start3A_162, %dma_start3A_163] : memref<50000x256xf32, #tpu.memory_space<hbm>> -> memref<50000x256xf32, #tpu.memory_space<hbm>>
    tpu.enqueue_indirect_dma source(%dma_start3A_164 : memref<50000x256xf32, #tpu.memory_space<hbm>>) target(%arg9 : memref<64x256xf32, #tpu.memory_space<vmem>>) offsets(%dma_start3A_161 : memref<64xi32, #tpu.memory_space<vmem>>) semaphore(%arg15 : memref<!tpu.dma_semaphore, #tpu.memory_space<semaphore_mem>>)
    %dma_wait3A_165 = arith.constant 6 : i32
    %dma_wait3A_166 = arith.constant 0 : i32
    %dma_wait3A_167 = tpu.memref_slice %arg5[%dma_wait3A_165, %dma_wait3A_166] : memref<16x64xi32, #tpu.memory_space<vmem>> -> memref<1x64xi32, #tpu.memory_space<vmem>>
    %dma_wait3A_168 = tpu.memref_squeeze %dma_wait3A_167 : memref<1x64xi32, #tpu.memory_space<vmem>> -> memref<64xi32, #tpu.memory_space<vmem>>
    %dma_wait3A_169 = arith.constant 0 : i32
    %dma_wait3A_170 = arith.constant 0 : i32
    %dma_wait3A_171 = tpu.memref_slice %arg3[%dma_wait3A_169, %dma_wait3A_170] : memref<50000x256xf32, #tpu.memory_space<hbm>> -> memref<50000x256xf32, #tpu.memory_space<hbm>>
    tpu.wait_indirect_dma semaphore(%arg12 : memref<!tpu.dma_semaphore, #tpu.memory_space<semaphore_mem>>) src(%dma_wait3A_171 : memref<50000x256xf32, #tpu.memory_space<hbm>>) dst(%arg6 : memref<64x256xf32, #tpu.memory_space<vmem>>)
    %add3A_172 = arith.constant 384 : i32
    %add3A_173 = arith.addi %mul3A_2, %add3A_172 : i32
    %dma_start3A_174 = arith.constant 0 : i32
    %dma_start3A_175 = tpu.memref_slice %arg4[%add3A_173, %dma_start3A_174] : memref<32768x256xf32, #tpu.memory_space<hbm>> -> memref<64x256xf32, #tpu.memory_space<hbm>>
    %dma_start3A_176 = arith.constant 0 : i32
    %dma_start3A_177 = tpu.memref_slice %arg4[%add3A_173, %dma_start3A_176] : memref<32768x256xf32, #tpu.memory_space<hbm>> -> memref<64x256xf32, #tpu.memory_space<hbm>>
    tpu.enqueue_dma source(%arg6 : memref<64x256xf32, #tpu.memory_space<vmem>>) target(%dma_start3A_177 : memref<64x256xf32, #tpu.memory_space<hbm>>) target_semaphore(%arg18 : memref<!tpu.dma_semaphore, #tpu.memory_space<semaphore_mem>>)
    %dma_wait3A_178 = arith.constant 0 : i32
    %dma_wait3A_179 = tpu.memref_slice %arg4[%add3A_125, %dma_wait3A_178] : memref<32768x256xf32, #tpu.memory_space<hbm>> -> memref<64x256xf32, #tpu.memory_space<hbm>>
    %dma_wait3A_180 = arith.constant 0 : i32
    %dma_wait3A_181 = tpu.memref_slice %arg4[%add3A_125, %dma_wait3A_180] : memref<32768x256xf32, #tpu.memory_space<hbm>> -> memref<64x256xf32, #tpu.memory_space<hbm>>
    tpu.wait_dma2 semaphore(%arg22 : memref<!tpu.dma_semaphore, #tpu.memory_space<semaphore_mem>>) src(%arg10 : memref<64x256xf32, #tpu.memory_space<vmem>>) dst(%dma_wait3A_181 : memref<64x256xf32, #tpu.memory_space<hbm>>)
    %dma_start3A_182 = arith.constant 10 : i32
    %dma_start3A_183 = arith.constant 0 : i32
    %dma_start3A_184 = tpu.memref_slice %arg5[%dma_start3A_182, %dma_start3A_183] : memref<16x64xi32, #tpu.memory_space<vmem>> -> memref<1x64xi32, #tpu.memory_space<vmem>>
    %dma_start3A_185 = tpu.memref_squeeze %dma_start3A_184 : memref<1x64xi32, #tpu.memory_space<vmem>> -> memref<64xi32, #tpu.memory_space<vmem>>
    %dma_start3A_186 = arith.constant 0 : i32
    %dma_start3A_187 = arith.constant 0 : i32
    %dma_start3A_188 = tpu.memref_slice %arg3[%dma_start3A_186, %dma_start3A_187] : memref<50000x256xf32, #tpu.memory_space<hbm>> -> memref<50000x256xf32, #tpu.memory_space<hbm>>
    tpu.enqueue_indirect_dma source(%dma_start3A_188 : memref<50000x256xf32, #tpu.memory_space<hbm>>) target(%arg10 : memref<64x256xf32, #tpu.memory_space<vmem>>) offsets(%dma_start3A_185 : memref<64xi32, #tpu.memory_space<vmem>>) semaphore(%arg16 : memref<!tpu.dma_semaphore, #tpu.memory_space<semaphore_mem>>)
    %dma_wait3A_189 = arith.constant 7 : i32
    %dma_wait3A_190 = arith.constant 0 : i32
    %dma_wait3A_191 = tpu.memref_slice %arg5[%dma_wait3A_189, %dma_wait3A_190] : memref<16x64xi32, #tpu.memory_space<vmem>> -> memref<1x64xi32, #tpu.memory_space<vmem>>
    %dma_wait3A_192 = tpu.memref_squeeze %dma_wait3A_191 : memref<1x64xi32, #tpu.memory_space<vmem>> -> memref<64xi32, #tpu.memory_space<vmem>>
    %dma_wait3A_193 = arith.constant 0 : i32
    %dma_wait3A_194 = arith.constant 0 : i32
    %dma_wait3A_195 = tpu.memref_slice %arg3[%dma_wait3A_193, %dma_wait3A_194] : memref<50000x256xf32, #tpu.memory_space<hbm>> -> memref<50000x256xf32, #tpu.memory_space<hbm>>
    tpu.wait_indirect_dma semaphore(%arg13 : memref<!tpu.dma_semaphore, #tpu.memory_space<semaphore_mem>>) src(%dma_wait3A_195 : memref<50000x256xf32, #tpu.memory_space<hbm>>) dst(%arg7 : memref<64x256xf32, #tpu.memory_space<vmem>>)
    %add3A_196 = arith.constant 448 : i32
    %add3A_197 = arith.addi %mul3A_2, %add3A_196 : i32
    %dma_start3A_198 = arith.constant 0 : i32
    %dma_start3A_199 = tpu.memref_slice %arg4[%add3A_197, %dma_start3A_198] : memref<32768x256xf32, #tpu.memory_space<hbm>> -> memref<64x256xf32, #tpu.memory_space<hbm>>
    %dma_start3A_200 = arith.constant 0 : i32
    %dma_start3A_201 = tpu.memref_slice %arg4[%add3A_197, %dma_start3A_200] : memref<32768x256xf32, #tpu.memory_space<hbm>> -> memref<64x256xf32, #tpu.memory_space<hbm>>
    tpu.enqueue_dma source(%arg7 : memref<64x256xf32, #tpu.memory_space<vmem>>) target(%dma_start3A_201 : memref<64x256xf32, #tpu.memory_space<hbm>>) target_semaphore(%arg19 : memref<!tpu.dma_semaphore, #tpu.memory_space<semaphore_mem>>)
    %dma_wait3A_202 = arith.constant 0 : i32
    %dma_wait3A_203 = tpu.memref_slice %arg4[%add3A_149, %dma_wait3A_202] : memref<32768x256xf32, #tpu.memory_space<hbm>> -> memref<64x256xf32, #tpu.memory_space<hbm>>
    %dma_wait3A_204 = arith.constant 0 : i32
    %dma_wait3A_205 = tpu.memref_slice %arg4[%add3A_149, %dma_wait3A_204] : memref<32768x256xf32, #tpu.memory_space<hbm>> -> memref<64x256xf32, #tpu.memory_space<hbm>>
    tpu.wait_dma2 semaphore(%arg23 : memref<!tpu.dma_semaphore, #tpu.memory_space<semaphore_mem>>) src(%arg11 : memref<64x256xf32, #tpu.memory_space<vmem>>) dst(%dma_wait3A_205 : memref<64x256xf32, #tpu.memory_space<hbm>>)
    %dma_start3A_206 = arith.constant 11 : i32
    %dma_start3A_207 = arith.constant 0 : i32
    %dma_start3A_208 = tpu.memref_slice %arg5[%dma_start3A_206, %dma_start3A_207] : memref<16x64xi32, #tpu.memory_space<vmem>> -> memref<1x64xi32, #tpu.memory_space<vmem>>
    %dma_start3A_209 = tpu.memref_squeeze %dma_start3A_208 : memref<1x64xi32, #tpu.memory_space<vmem>> -> memref<64xi32, #tpu.memory_space<vmem>>
    %dma_start3A_210 = arith.constant 0 : i32
    %dma_start3A_211 = arith.constant 0 : i32
    %dma_start3A_212 = tpu.memref_slice %arg3[%dma_start3A_210, %dma_start3A_211] : memref<50000x256xf32, #tpu.memory_space<hbm>> -> memref<50000x256xf32, #tpu.memory_space<hbm>>
    tpu.enqueue_indirect_dma source(%dma_start3A_212 : memref<50000x256xf32, #tpu.memory_space<hbm>>) target(%arg11 : memref<64x256xf32, #tpu.memory_space<vmem>>) offsets(%dma_start3A_209 : memref<64xi32, #tpu.memory_space<vmem>>) semaphore(%arg17 : memref<!tpu.dma_semaphore, #tpu.memory_space<semaphore_mem>>)
    %dma_wait3A_213 = arith.constant 8 : i32
    %dma_wait3A_214 = arith.constant 0 : i32
    %dma_wait3A_215 = tpu.memref_slice %arg5[%dma_wait3A_213, %dma_wait3A_214] : memref<16x64xi32, #tpu.memory_space<vmem>> -> memref<1x64xi32, #tpu.memory_space<vmem>>
    %dma_wait3A_216 = tpu.memref_squeeze %dma_wait3A_215 : memref<1x64xi32, #tpu.memory_space<vmem>> -> memref<64xi32, #tpu.memory_space<vmem>>
    %dma_wait3A_217 = arith.constant 0 : i32
    %dma_wait3A_218 = arith.constant 0 : i32
    %dma_wait3A_219 = tpu.memref_slice %arg3[%dma_wait3A_217, %dma_wait3A_218] : memref<50000x256xf32, #tpu.memory_space<hbm>> -> memref<50000x256xf32, #tpu.memory_space<hbm>>
    tpu.wait_indirect_dma semaphore(%arg14 : memref<!tpu.dma_semaphore, #tpu.memory_space<semaphore_mem>>) src(%dma_wait3A_219 : memref<50000x256xf32, #tpu.memory_space<hbm>>) dst(%arg8 : memref<64x256xf32, #tpu.memory_space<vmem>>)
    %add3A_220 = arith.constant 512 : i32
    %add3A_221 = arith.addi %mul3A_2, %add3A_220 : i32
    %dma_start3A_222 = arith.constant 0 : i32
    %dma_start3A_223 = tpu.memref_slice %arg4[%add3A_221, %dma_start3A_222] : memref<32768x256xf32, #tpu.memory_space<hbm>> -> memref<64x256xf32, #tpu.memory_space<hbm>>
    %dma_start3A_224 = arith.constant 0 : i32
    %dma_start3A_225 = tpu.memref_slice %arg4[%add3A_221, %dma_start3A_224] : memref<32768x256xf32, #tpu.memory_space<hbm>> -> memref<64x256xf32, #tpu.memory_space<hbm>>
    tpu.enqueue_dma source(%arg8 : memref<64x256xf32, #tpu.memory_space<vmem>>) target(%dma_start3A_225 : memref<64x256xf32, #tpu.memory_space<hbm>>) target_semaphore(%arg20 : memref<!tpu.dma_semaphore, #tpu.memory_space<semaphore_mem>>)
    %dma_wait3A_226 = arith.constant 0 : i32
    %dma_wait3A_227 = tpu.memref_slice %arg4[%add3A_173, %dma_wait3A_226] : memref<32768x256xf32, #tpu.memory_space<hbm>> -> memref<64x256xf32, #tpu.memory_space<hbm>>
    %dma_wait3A_228 = arith.constant 0 : i32
    %dma_wait3A_229 = tpu.memref_slice %arg4[%add3A_173, %dma_wait3A_228] : memref<32768x256xf32, #tpu.memory_space<hbm>> -> memref<64x256xf32, #tpu.memory_space<hbm>>
    tpu.wait_dma2 semaphore(%arg18 : memref<!tpu.dma_semaphore, #tpu.memory_space<semaphore_mem>>) src(%arg6 : memref<64x256xf32, #tpu.memory_space<vmem>>) dst(%dma_wait3A_229 : memref<64x256xf32, #tpu.memory_space<hbm>>)
    %dma_start3A_230 = arith.constant 12 : i32
    %dma_start3A_231 = arith.constant 0 : i32
    %dma_start3A_232 = tpu.memref_slice %arg5[%dma_start3A_230, %dma_start3A_231] : memref<16x64xi32, #tpu.memory_space<vmem>> -> memref<1x64xi32, #tpu.memory_space<vmem>>
    %dma_start3A_233 = tpu.memref_squeeze %dma_start3A_232 : memref<1x64xi32, #tpu.memory_space<vmem>> -> memref<64xi32, #tpu.memory_space<vmem>>
    %dma_start3A_234 = arith.constant 0 : i32
    %dma_start3A_235 = arith.constant 0 : i32
    %dma_start3A_236 = tpu.memref_slice %arg3[%dma_start3A_234, %dma_start3A_235] : memref<50000x256xf32, #tpu.memory_space<hbm>> -> memref<50000x256xf32, #tpu.memory_space<hbm>>
    tpu.enqueue_indirect_dma source(%dma_start3A_236 : memref<50000x256xf32, #tpu.memory_space<hbm>>) target(%arg6 : memref<64x256xf32, #tpu.memory_space<vmem>>) offsets(%dma_start3A_233 : memref<64xi32, #tpu.memory_space<vmem>>) semaphore(%arg12 : memref<!tpu.dma_semaphore, #tpu.memory_space<semaphore_mem>>)
    %dma_wait3A_237 = arith.constant 9 : i32
    %dma_wait3A_238 = arith.constant 0 : i32
    %dma_wait3A_239 = tpu.memref_slice %arg5[%dma_wait3A_237, %dma_wait3A_238] : memref<16x64xi32, #tpu.memory_space<vmem>> -> memref<1x64xi32, #tpu.memory_space<vmem>>
    %dma_wait3A_240 = tpu.memref_squeeze %dma_wait3A_239 : memref<1x64xi32, #tpu.memory_space<vmem>> -> memref<64xi32, #tpu.memory_space<vmem>>
    %dma_wait3A_241 = arith.constant 0 : i32
    %dma_wait3A_242 = arith.constant 0 : i32
    %dma_wait3A_243 = tpu.memref_slice %arg3[%dma_wait3A_241, %dma_wait3A_242] : memref<50000x256xf32, #tpu.memory_space<hbm>> -> memref<50000x256xf32, #tpu.memory_space<hbm>>
    tpu.wait_indirect_dma semaphore(%arg15 : memref<!tpu.dma_semaphore, #tpu.memory_space<semaphore_mem>>) src(%dma_wait3A_243 : memref<50000x256xf32, #tpu.memory_space<hbm>>) dst(%arg9 : memref<64x256xf32, #tpu.memory_space<vmem>>)
    %add3A_244 = arith.constant 576 : i32
    %add3A_245 = arith.addi %mul3A_2, %add3A_244 : i32
    %dma_start3A_246 = arith.constant 0 : i32
    %dma_start3A_247 = tpu.memref_slice %arg4[%add3A_245, %dma_start3A_246] : memref<32768x256xf32, #tpu.memory_space<hbm>> -> memref<64x256xf32, #tpu.memory_space<hbm>>
    %dma_start3A_248 = arith.constant 0 : i32
    %dma_start3A_249 = tpu.memref_slice %arg4[%add3A_245, %dma_start3A_248] : memref<32768x256xf32, #tpu.memory_space<hbm>> -> memref<64x256xf32, #tpu.memory_space<hbm>>
    tpu.enqueue_dma source(%arg9 : memref<64x256xf32, #tpu.memory_space<vmem>>) target(%dma_start3A_249 : memref<64x256xf32, #tpu.memory_space<hbm>>) target_semaphore(%arg21 : memref<!tpu.dma_semaphore, #tpu.memory_space<semaphore_mem>>)
    %dma_wait3A_250 = arith.constant 0 : i32
    %dma_wait3A_251 = tpu.memref_slice %arg4[%add3A_197, %dma_wait3A_250] : memref<32768x256xf32, #tpu.memory_space<hbm>> -> memref<64x256xf32, #tpu.memory_space<hbm>>
    %dma_wait3A_252 = arith.constant 0 : i32
    %dma_wait3A_253 = tpu.memref_slice %arg4[%add3A_197, %dma_wait3A_252] : memref<32768x256xf32, #tpu.memory_space<hbm>> -> memref<64x256xf32, #tpu.memory_space<hbm>>
    tpu.wait_dma2 semaphore(%arg19 : memref<!tpu.dma_semaphore, #tpu.memory_space<semaphore_mem>>) src(%arg7 : memref<64x256xf32, #tpu.memory_space<vmem>>) dst(%dma_wait3A_253 : memref<64x256xf32, #tpu.memory_space<hbm>>)
    %dma_start3A_254 = arith.constant 13 : i32
    %dma_start3A_255 = arith.constant 0 : i32
    %dma_start3A_256 = tpu.memref_slice %arg5[%dma_start3A_254, %dma_start3A_255] : memref<16x64xi32, #tpu.memory_space<vmem>> -> memref<1x64xi32, #tpu.memory_space<vmem>>
    %dma_start3A_257 = tpu.memref_squeeze %dma_start3A_256 : memref<1x64xi32, #tpu.memory_space<vmem>> -> memref<64xi32, #tpu.memory_space<vmem>>
    %dma_start3A_258 = arith.constant 0 : i32
    %dma_start3A_259 = arith.constant 0 : i32
    %dma_start3A_260 = tpu.memref_slice %arg3[%dma_start3A_258, %dma_start3A_259] : memref<50000x256xf32, #tpu.memory_space<hbm>> -> memref<50000x256xf32, #tpu.memory_space<hbm>>
    tpu.enqueue_indirect_dma source(%dma_start3A_260 : memref<50000x256xf32, #tpu.memory_space<hbm>>) target(%arg7 : memref<64x256xf32, #tpu.memory_space<vmem>>) offsets(%dma_start3A_257 : memref<64xi32, #tpu.memory_space<vmem>>) semaphore(%arg13 : memref<!tpu.dma_semaphore, #tpu.memory_space<semaphore_mem>>)
    %dma_wait3A_261 = arith.constant 10 : i32
    %dma_wait3A_262 = arith.constant 0 : i32
    %dma_wait3A_263 = tpu.memref_slice %arg5[%dma_wait3A_261, %dma_wait3A_262] : memref<16x64xi32, #tpu.memory_space<vmem>> -> memref<1x64xi32, #tpu.memory_space<vmem>>
    %dma_wait3A_264 = tpu.memref_squeeze %dma_wait3A_263 : memref<1x64xi32, #tpu.memory_space<vmem>> -> memref<64xi32, #tpu.memory_space<vmem>>
    %dma_wait3A_265 = arith.constant 0 : i32
    %dma_wait3A_266 = arith.constant 0 : i32
    %dma_wait3A_267 = tpu.memref_slice %arg3[%dma_wait3A_265, %dma_wait3A_266] : memref<50000x256xf32, #tpu.memory_space<hbm>> -> memref<50000x256xf32, #tpu.memory_space<hbm>>
    tpu.wait_indirect_dma semaphore(%arg16 : memref<!tpu.dma_semaphore, #tpu.memory_space<semaphore_mem>>) src(%dma_wait3A_267 : memref<50000x256xf32, #tpu.memory_space<hbm>>) dst(%arg10 : memref<64x256xf32, #tpu.memory_space<vmem>>)
    %add3A_268 = arith.constant 640 : i32
    %add3A_269 = arith.addi %mul3A_2, %add3A_268 : i32
    %dma_start3A_270 = arith.constant 0 : i32
    %dma_start3A_271 = tpu.memref_slice %arg4[%add3A_269, %dma_start3A_270] : memref<32768x256xf32, #tpu.memory_space<hbm>> -> memref<64x256xf32, #tpu.memory_space<hbm>>
    %dma_start3A_272 = arith.constant 0 : i32
    %dma_start3A_273 = tpu.memref_slice %arg4[%add3A_269, %dma_start3A_272] : memref<32768x256xf32, #tpu.memory_space<hbm>> -> memref<64x256xf32, #tpu.memory_space<hbm>>
    tpu.enqueue_dma source(%arg10 : memref<64x256xf32, #tpu.memory_space<vmem>>) target(%dma_start3A_273 : memref<64x256xf32, #tpu.memory_space<hbm>>) target_semaphore(%arg22 : memref<!tpu.dma_semaphore, #tpu.memory_space<semaphore_mem>>)
    %dma_wait3A_274 = arith.constant 0 : i32
    %dma_wait3A_275 = tpu.memref_slice %arg4[%add3A_221, %dma_wait3A_274] : memref<32768x256xf32, #tpu.memory_space<hbm>> -> memref<64x256xf32, #tpu.memory_space<hbm>>
    %dma_wait3A_276 = arith.constant 0 : i32
    %dma_wait3A_277 = tpu.memref_slice %arg4[%add3A_221, %dma_wait3A_276] : memref<32768x256xf32, #tpu.memory_space<hbm>> -> memref<64x256xf32, #tpu.memory_space<hbm>>
    tpu.wait_dma2 semaphore(%arg20 : memref<!tpu.dma_semaphore, #tpu.memory_space<semaphore_mem>>) src(%arg8 : memref<64x256xf32, #tpu.memory_space<vmem>>) dst(%dma_wait3A_277 : memref<64x256xf32, #tpu.memory_space<hbm>>)
    %dma_start3A_278 = arith.constant 14 : i32
    %dma_start3A_279 = arith.constant 0 : i32
    %dma_start3A_280 = tpu.memref_slice %arg5[%dma_start3A_278, %dma_start3A_279] : memref<16x64xi32, #tpu.memory_space<vmem>> -> memref<1x64xi32, #tpu.memory_space<vmem>>
    %dma_start3A_281 = tpu.memref_squeeze %dma_start3A_280 : memref<1x64xi32, #tpu.memory_space<vmem>> -> memref<64xi32, #tpu.memory_space<vmem>>
    %dma_start3A_282 = arith.constant 0 : i32
    %dma_start3A_283 = arith.constant 0 : i32
    %dma_start3A_284 = tpu.memref_slice %arg3[%dma_start3A_282, %dma_start3A_283] : memref<50000x256xf32, #tpu.memory_space<hbm>> -> memref<50000x256xf32, #tpu.memory_space<hbm>>
    tpu.enqueue_indirect_dma source(%dma_start3A_284 : memref<50000x256xf32, #tpu.memory_space<hbm>>) target(%arg8 : memref<64x256xf32, #tpu.memory_space<vmem>>) offsets(%dma_start3A_281 : memref<64xi32, #tpu.memory_space<vmem>>) semaphore(%arg14 : memref<!tpu.dma_semaphore, #tpu.memory_space<semaphore_mem>>)
    %dma_wait3A_285 = arith.constant 11 : i32
    %dma_wait3A_286 = arith.constant 0 : i32
    %dma_wait3A_287 = tpu.memref_slice %arg5[%dma_wait3A_285, %dma_wait3A_286] : memref<16x64xi32, #tpu.memory_space<vmem>> -> memref<1x64xi32, #tpu.memory_space<vmem>>
    %dma_wait3A_288 = tpu.memref_squeeze %dma_wait3A_287 : memref<1x64xi32, #tpu.memory_space<vmem>> -> memref<64xi32, #tpu.memory_space<vmem>>
    %dma_wait3A_289 = arith.constant 0 : i32
    %dma_wait3A_290 = arith.constant 0 : i32
    %dma_wait3A_291 = tpu.memref_slice %arg3[%dma_wait3A_289, %dma_wait3A_290] : memref<50000x256xf32, #tpu.memory_space<hbm>> -> memref<50000x256xf32, #tpu.memory_space<hbm>>
    tpu.wait_indirect_dma semaphore(%arg17 : memref<!tpu.dma_semaphore, #tpu.memory_space<semaphore_mem>>) src(%dma_wait3A_291 : memref<50000x256xf32, #tpu.memory_space<hbm>>) dst(%arg11 : memref<64x256xf32, #tpu.memory_space<vmem>>)
    %add3A_292 = arith.constant 704 : i32
    %add3A_293 = arith.addi %mul3A_2, %add3A_292 : i32
    %dma_start3A_294 = arith.constant 0 : i32
    %dma_start3A_295 = tpu.memref_slice %arg4[%add3A_293, %dma_start3A_294] : memref<32768x256xf32, #tpu.memory_space<hbm>> -> memref<64x256xf32, #tpu.memory_space<hbm>>
    %dma_start3A_296 = arith.constant 0 : i32
    %dma_start3A_297 = tpu.memref_slice %arg4[%add3A_293, %dma_start3A_296] : memref<32768x256xf32, #tpu.memory_space<hbm>> -> memref<64x256xf32, #tpu.memory_space<hbm>>
    tpu.enqueue_dma source(%arg11 : memref<64x256xf32, #tpu.memory_space<vmem>>) target(%dma_start3A_297 : memref<64x256xf32, #tpu.memory_space<hbm>>) target_semaphore(%arg23 : memref<!tpu.dma_semaphore, #tpu.memory_space<semaphore_mem>>)
    %dma_wait3A_298 = arith.constant 0 : i32
    %dma_wait3A_299 = tpu.memref_slice %arg4[%add3A_245, %dma_wait3A_298] : memref<32768x256xf32, #tpu.memory_space<hbm>> -> memref<64x256xf32, #tpu.memory_space<hbm>>
    %dma_wait3A_300 = arith.constant 0 : i32
    %dma_wait3A_301 = tpu.memref_slice %arg4[%add3A_245, %dma_wait3A_300] : memref<32768x256xf32, #tpu.memory_space<hbm>> -> memref<64x256xf32, #tpu.memory_space<hbm>>
    tpu.wait_dma2 semaphore(%arg21 : memref<!tpu.dma_semaphore, #tpu.memory_space<semaphore_mem>>) src(%arg9 : memref<64x256xf32, #tpu.memory_space<vmem>>) dst(%dma_wait3A_301 : memref<64x256xf32, #tpu.memory_space<hbm>>)
    %dma_start3A_302 = arith.constant 15 : i32
    %dma_start3A_303 = arith.constant 0 : i32
    %dma_start3A_304 = tpu.memref_slice %arg5[%dma_start3A_302, %dma_start3A_303] : memref<16x64xi32, #tpu.memory_space<vmem>> -> memref<1x64xi32, #tpu.memory_space<vmem>>
    %dma_start3A_305 = tpu.memref_squeeze %dma_start3A_304 : memref<1x64xi32, #tpu.memory_space<vmem>> -> memref<64xi32, #tpu.memory_space<vmem>>
    %dma_start3A_306 = arith.constant 0 : i32
    %dma_start3A_307 = arith.constant 0 : i32
    %dma_start3A_308 = tpu.memref_slice %arg3[%dma_start3A_306, %dma_start3A_307] : memref<50000x256xf32, #tpu.memory_space<hbm>> -> memref<50000x256xf32, #tpu.memory_space<hbm>>
    tpu.enqueue_indirect_dma source(%dma_start3A_308 : memref<50000x256xf32, #tpu.memory_space<hbm>>) target(%arg9 : memref<64x256xf32, #tpu.memory_space<vmem>>) offsets(%dma_start3A_305 : memref<64xi32, #tpu.memory_space<vmem>>) semaphore(%arg15 : memref<!tpu.dma_semaphore, #tpu.memory_space<semaphore_mem>>)
    %dma_wait3A_309 = arith.constant 12 : i32
    %dma_wait3A_310 = arith.constant 0 : i32
    %dma_wait3A_311 = tpu.memref_slice %arg5[%dma_wait3A_309, %dma_wait3A_310] : memref<16x64xi32, #tpu.memory_space<vmem>> -> memref<1x64xi32, #tpu.memory_space<vmem>>
    %dma_wait3A_312 = tpu.memref_squeeze %dma_wait3A_311 : memref<1x64xi32, #tpu.memory_space<vmem>> -> memref<64xi32, #tpu.memory_space<vmem>>
    %dma_wait3A_313 = arith.constant 0 : i32
    %dma_wait3A_314 = arith.constant 0 : i32
    %dma_wait3A_315 = tpu.memref_slice %arg3[%dma_wait3A_313, %dma_wait3A_314] : memref<50000x256xf32, #tpu.memory_space<hbm>> -> memref<50000x256xf32, #tpu.memory_space<hbm>>
    tpu.wait_indirect_dma semaphore(%arg12 : memref<!tpu.dma_semaphore, #tpu.memory_space<semaphore_mem>>) src(%dma_wait3A_315 : memref<50000x256xf32, #tpu.memory_space<hbm>>) dst(%arg6 : memref<64x256xf32, #tpu.memory_space<vmem>>)
    %add3A_316 = arith.constant 768 : i32
    %add3A_317 = arith.addi %mul3A_2, %add3A_316 : i32
    %dma_start3A_318 = arith.constant 0 : i32
    %dma_start3A_319 = tpu.memref_slice %arg4[%add3A_317, %dma_start3A_318] : memref<32768x256xf32, #tpu.memory_space<hbm>> -> memref<64x256xf32, #tpu.memory_space<hbm>>
    %dma_start3A_320 = arith.constant 0 : i32
    %dma_start3A_321 = tpu.memref_slice %arg4[%add3A_317, %dma_start3A_320] : memref<32768x256xf32, #tpu.memory_space<hbm>> -> memref<64x256xf32, #tpu.memory_space<hbm>>
    tpu.enqueue_dma source(%arg6 : memref<64x256xf32, #tpu.memory_space<vmem>>) target(%dma_start3A_321 : memref<64x256xf32, #tpu.memory_space<hbm>>) target_semaphore(%arg18 : memref<!tpu.dma_semaphore, #tpu.memory_space<semaphore_mem>>)
    %dma_wait3A_322 = arith.constant 13 : i32
    %dma_wait3A_323 = arith.constant 0 : i32
    %dma_wait3A_324 = tpu.memref_slice %arg5[%dma_wait3A_322, %dma_wait3A_323] : memref<16x64xi32, #tpu.memory_space<vmem>> -> memref<1x64xi32, #tpu.memory_space<vmem>>
    %dma_wait3A_325 = tpu.memref_squeeze %dma_wait3A_324 : memref<1x64xi32, #tpu.memory_space<vmem>> -> memref<64xi32, #tpu.memory_space<vmem>>
    %dma_wait3A_326 = arith.constant 0 : i32
    %dma_wait3A_327 = arith.constant 0 : i32
    %dma_wait3A_328 = tpu.memref_slice %arg3[%dma_wait3A_326, %dma_wait3A_327] : memref<50000x256xf32, #tpu.memory_space<hbm>> -> memref<50000x256xf32, #tpu.memory_space<hbm>>
    tpu.wait_indirect_dma semaphore(%arg13 : memref<!tpu.dma_semaphore, #tpu.memory_space<semaphore_mem>>) src(%dma_wait3A_328 : memref<50000x256xf32, #tpu.memory_space<hbm>>) dst(%arg7 : memref<64x256xf32, #tpu.memory_space<vmem>>)
    %add3A_329 = arith.constant 832 : i32
    %add3A_330 = arith.addi %mul3A_2, %add3A_329 : i32
    %dma_start3A_331 = arith.constant 0 : i32
    %dma_start3A_332 = tpu.memref_slice %arg4[%add3A_330, %dma_start3A_331] : memref<32768x256xf32, #tpu.memory_space<hbm>> -> memref<64x256xf32, #tpu.memory_space<hbm>>
    %dma_start3A_333 = arith.constant 0 : i32
    %dma_start3A_334 = tpu.memref_slice %arg4[%add3A_330, %dma_start3A_333] : memref<32768x256xf32, #tpu.memory_space<hbm>> -> memref<64x256xf32, #tpu.memory_space<hbm>>
    tpu.enqueue_dma source(%arg7 : memref<64x256xf32, #tpu.memory_space<vmem>>) target(%dma_start3A_334 : memref<64x256xf32, #tpu.memory_space<hbm>>) target_semaphore(%arg19 : memref<!tpu.dma_semaphore, #tpu.memory_space<semaphore_mem>>)
    %dma_wait3A_335 = arith.constant 14 : i32
    %dma_wait3A_336 = arith.constant 0 : i32
    %dma_wait3A_337 = tpu.memref_slice %arg5[%dma_wait3A_335, %dma_wait3A_336] : memref<16x64xi32, #tpu.memory_space<vmem>> -> memref<1x64xi32, #tpu.memory_space<vmem>>
    %dma_wait3A_338 = tpu.memref_squeeze %dma_wait3A_337 : memref<1x64xi32, #tpu.memory_space<vmem>> -> memref<64xi32, #tpu.memory_space<vmem>>
    %dma_wait3A_339 = arith.constant 0 : i32
    %dma_wait3A_340 = arith.constant 0 : i32
    %dma_wait3A_341 = tpu.memref_slice %arg3[%dma_wait3A_339, %dma_wait3A_340] : memref<50000x256xf32, #tpu.memory_space<hbm>> -> memref<50000x256xf32, #tpu.memory_space<hbm>>
    tpu.wait_indirect_dma semaphore(%arg14 : memref<!tpu.dma_semaphore, #tpu.memory_space<semaphore_mem>>) src(%dma_wait3A_341 : memref<50000x256xf32, #tpu.memory_space<hbm>>) dst(%arg8 : memref<64x256xf32, #tpu.memory_space<vmem>>)
    %add3A_342 = arith.constant 896 : i32
    %add3A_343 = arith.addi %mul3A_2, %add3A_342 : i32
    %dma_start3A_344 = arith.constant 0 : i32
    %dma_start3A_345 = tpu.memref_slice %arg4[%add3A_343, %dma_start3A_344] : memref<32768x256xf32, #tpu.memory_space<hbm>> -> memref<64x256xf32, #tpu.memory_space<hbm>>
    %dma_start3A_346 = arith.constant 0 : i32
    %dma_start3A_347 = tpu.memref_slice %arg4[%add3A_343, %dma_start3A_346] : memref<32768x256xf32, #tpu.memory_space<hbm>> -> memref<64x256xf32, #tpu.memory_space<hbm>>
    tpu.enqueue_dma source(%arg8 : memref<64x256xf32, #tpu.memory_space<vmem>>) target(%dma_start3A_347 : memref<64x256xf32, #tpu.memory_space<hbm>>) target_semaphore(%arg20 : memref<!tpu.dma_semaphore, #tpu.memory_space<semaphore_mem>>)
    %dma_wait3A_348 = arith.constant 15 : i32
    %dma_wait3A_349 = arith.constant 0 : i32
    %dma_wait3A_350 = tpu.memref_slice %arg5[%dma_wait3A_348, %dma_wait3A_349] : memref<16x64xi32, #tpu.memory_space<vmem>> -> memref<1x64xi32, #tpu.memory_space<vmem>>
    %dma_wait3A_351 = tpu.memref_squeeze %dma_wait3A_350 : memref<1x64xi32, #tpu.memory_space<vmem>> -> memref<64xi32, #tpu.memory_space<vmem>>
    %dma_wait3A_352 = arith.constant 0 : i32
    %dma_wait3A_353 = arith.constant 0 : i32
    %dma_wait3A_354 = tpu.memref_slice %arg3[%dma_wait3A_352, %dma_wait3A_353] : memref<50000x256xf32, #tpu.memory_space<hbm>> -> memref<50000x256xf32, #tpu.memory_space<hbm>>
    tpu.wait_indirect_dma semaphore(%arg15 : memref<!tpu.dma_semaphore, #tpu.memory_space<semaphore_mem>>) src(%dma_wait3A_354 : memref<50000x256xf32, #tpu.memory_space<hbm>>) dst(%arg9 : memref<64x256xf32, #tpu.memory_space<vmem>>)
    %add3A_355 = arith.constant 960 : i32
    %add3A_356 = arith.addi %mul3A_2, %add3A_355 : i32
    %dma_start3A_357 = arith.constant 0 : i32
    %dma_start3A_358 = tpu.memref_slice %arg4[%add3A_356, %dma_start3A_357] : memref<32768x256xf32, #tpu.memory_space<hbm>> -> memref<64x256xf32, #tpu.memory_space<hbm>>
    %dma_start3A_359 = arith.constant 0 : i32
    %dma_start3A_360 = tpu.memref_slice %arg4[%add3A_356, %dma_start3A_359] : memref<32768x256xf32, #tpu.memory_space<hbm>> -> memref<64x256xf32, #tpu.memory_space<hbm>>
    tpu.enqueue_dma source(%arg9 : memref<64x256xf32, #tpu.memory_space<vmem>>) target(%dma_start3A_360 : memref<64x256xf32, #tpu.memory_space<hbm>>) target_semaphore(%arg21 : memref<!tpu.dma_semaphore, #tpu.memory_space<semaphore_mem>>)
    %dma_wait3A_361 = arith.constant 0 : i32
    %dma_wait3A_362 = tpu.memref_slice %arg4[%add3A_317, %dma_wait3A_361] : memref<32768x256xf32, #tpu.memory_space<hbm>> -> memref<64x256xf32, #tpu.memory_space<hbm>>
    %dma_wait3A_363 = arith.constant 0 : i32
    %dma_wait3A_364 = tpu.memref_slice %arg4[%add3A_317, %dma_wait3A_363] : memref<32768x256xf32, #tpu.memory_space<hbm>> -> memref<64x256xf32, #tpu.memory_space<hbm>>
    tpu.wait_dma2 semaphore(%arg18 : memref<!tpu.dma_semaphore, #tpu.memory_space<semaphore_mem>>) src(%arg6 : memref<64x256xf32, #tpu.memory_space<vmem>>) dst(%dma_wait3A_364 : memref<64x256xf32, #tpu.memory_space<hbm>>)
    %dma_wait3A_365 = arith.constant 0 : i32
    %dma_wait3A_366 = tpu.memref_slice %arg4[%add3A_330, %dma_wait3A_365] : memref<32768x256xf32, #tpu.memory_space<hbm>> -> memref<64x256xf32, #tpu.memory_space<hbm>>
    %dma_wait3A_367 = arith.constant 0 : i32
    %dma_wait3A_368 = tpu.memref_slice %arg4[%add3A_330, %dma_wait3A_367] : memref<32768x256xf32, #tpu.memory_space<hbm>> -> memref<64x256xf32, #tpu.memory_space<hbm>>
    tpu.wait_dma2 semaphore(%arg19 : memref<!tpu.dma_semaphore, #tpu.memory_space<semaphore_mem>>) src(%arg7 : memref<64x256xf32, #tpu.memory_space<vmem>>) dst(%dma_wait3A_368 : memref<64x256xf32, #tpu.memory_space<hbm>>)
    %dma_wait3A_369 = arith.constant 0 : i32
    %dma_wait3A_370 = tpu.memref_slice %arg4[%add3A_343, %dma_wait3A_369] : memref<32768x256xf32, #tpu.memory_space<hbm>> -> memref<64x256xf32, #tpu.memory_space<hbm>>
    %dma_wait3A_371 = arith.constant 0 : i32
    %dma_wait3A_372 = tpu.memref_slice %arg4[%add3A_343, %dma_wait3A_371] : memref<32768x256xf32, #tpu.memory_space<hbm>> -> memref<64x256xf32, #tpu.memory_space<hbm>>
    tpu.wait_dma2 semaphore(%arg20 : memref<!tpu.dma_semaphore, #tpu.memory_space<semaphore_mem>>) src(%arg8 : memref<64x256xf32, #tpu.memory_space<vmem>>) dst(%dma_wait3A_372 : memref<64x256xf32, #tpu.memory_space<hbm>>)
    %dma_wait3A_373 = arith.constant 0 : i32
    %dma_wait3A_374 = tpu.memref_slice %arg4[%add3A_356, %dma_wait3A_373] : memref<32768x256xf32, #tpu.memory_space<hbm>> -> memref<64x256xf32, #tpu.memory_space<hbm>>
    %dma_wait3A_375 = arith.constant 0 : i32
    %dma_wait3A_376 = tpu.memref_slice %arg4[%add3A_356, %dma_wait3A_375] : memref<32768x256xf32, #tpu.memory_space<hbm>> -> memref<64x256xf32, #tpu.memory_space<hbm>>
    tpu.wait_dma2 semaphore(%arg21 : memref<!tpu.dma_semaphore, #tpu.memory_space<semaphore_mem>>) src(%arg9 : memref<64x256xf32, #tpu.memory_space<vmem>>) dst(%dma_wait3A_376 : memref<64x256xf32, #tpu.memory_space<hbm>>)
    %dma_wait3A_377 = arith.constant 0 : i32
    %dma_wait3A_378 = tpu.memref_slice %arg4[%add3A_269, %dma_wait3A_377] : memref<32768x256xf32, #tpu.memory_space<hbm>> -> memref<64x256xf32, #tpu.memory_space<hbm>>
    %dma_wait3A_379 = arith.constant 0 : i32
    %dma_wait3A_380 = tpu.memref_slice %arg4[%add3A_269, %dma_wait3A_379] : memref<32768x256xf32, #tpu.memory_space<hbm>> -> memref<64x256xf32, #tpu.memory_space<hbm>>
    tpu.wait_dma2 semaphore(%arg22 : memref<!tpu.dma_semaphore, #tpu.memory_space<semaphore_mem>>) src(%arg10 : memref<64x256xf32, #tpu.memory_space<vmem>>) dst(%dma_wait3A_380 : memref<64x256xf32, #tpu.memory_space<hbm>>)
    %dma_wait3A_381 = arith.constant 0 : i32
    %dma_wait3A_382 = tpu.memref_slice %arg4[%add3A_293, %dma_wait3A_381] : memref<32768x256xf32, #tpu.memory_space<hbm>> -> memref<64x256xf32, #tpu.memory_space<hbm>>
    %dma_wait3A_383 = arith.constant 0 : i32
    %dma_wait3A_384 = tpu.memref_slice %arg4[%add3A_293, %dma_wait3A_383] : memref<32768x256xf32, #tpu.memory_space<hbm>> -> memref<64x256xf32, #tpu.memory_space<hbm>>
    tpu.wait_dma2 semaphore(%arg23 : memref<!tpu.dma_semaphore, #tpu.memory_space<semaphore_mem>>) src(%arg11 : memref<64x256xf32, #tpu.memory_space<vmem>>) dst(%dma_wait3A_384 : memref<64x256xf32, #tpu.memory_space<hbm>>)
    return
  }
}

module attributes {stable_mosaic.version = 14 : i64} {
  func.func @body(%arg0: i32, %arg1: memref<17xi32, #tpu.memory_space<smem>>, %arg2: memref<8192x256xf32, #tpu.memory_space<vmem>>, %arg3: memref<256x256xf32, #tpu.memory_space<vmem>>, %arg4: memref<16x256xf32, #tpu.memory_space<vmem>>, %arg5: memref<16x256xf32, #tpu.memory_space<vmem>>) attributes {dimension_semantics = [#tpu.dimension_semantics<arbitrary>], iteration_bounds = array<i64: 4>, scalar_prefetch = 1 : i64, scratch_operands = 1 : i64, tpu.core_type = #tpu.core_type<tc>, window_params = [{transform_indices = @transform_0, window_bounds = array<i64: 8192, 256>}, {pipeline_mode = #tpu.pipeline_mode<synchronous>, transform_indices = @transform_1, window_bounds = array<i64: 256, 256>}, {pipeline_mode = #tpu.pipeline_mode<synchronous>, transform_indices = @transform_2, window_bounds = array<i64: 16, 256>}]} {
    %eq3A = arith.constant 0 : i32
    %eq3A_0 = arith.cmpi eq, %arg0, %eq3A : i32
    %convert_element_type3A = arith.extui %eq3A_0 : i1 to i32
    %cond3A = arith.constant 0 : i32
    %cond3A_1 = arith.cmpi ne, %convert_element_type3A, %cond3A : i32
    scf.if %cond3A_1 {
      %broadcast_in_dim3A_134 = arith.constant 0.000000e+00 : f32
      %broadcast_in_dim3A_135 = vector.broadcast %broadcast_in_dim3A_134 : f32 to vector<16x256xf32>
      %swap3A_136 = arith.constant 0 : index
      %swap3A_137 = arith.constant 0 : index
      %swap3A_138 = vector.load %arg5[%swap3A_136, %swap3A_137] : memref<16x256xf32, #tpu.memory_space<vmem>>, vector<16x256xf32>
      tpu.vector_store %arg5[%swap3A_136, %swap3A_137], %broadcast_in_dim3A_135 {strides = array<i32>} : memref<16x256xf32, #tpu.memory_space<vmem>>, vector<16x256xf32>,
    } else {
    }
    %get3A = arith.constant 0 : index
    %get3A_2 = arith.constant 0 : index
    %get3A_3 = vector.load %arg2[%get3A, %get3A_2] : memref<8192x256xf32, #tpu.memory_space<vmem>>, vector<8192x256xf32>
    %convert_element_type3A_4 = arith.truncf %get3A_3 : vector<8192x256xf32> to vector<8192x256xbf16>
    %get3A_5 = arith.constant 0 : index
    %get3A_6 = arith.constant 0 : index
    %get3A_7 = vector.load %arg3[%get3A_5, %get3A_6] : memref<256x256xf32, #tpu.memory_space<vmem>>, vector<256x256xf32>
    %convert_element_type3A_8 = arith.truncf %get3A_7 : vector<256x256xf32> to vector<256x256xbf16>
    %dot_general3A = arith.constant dense<0.000000e+00> : vector<8192x256xf32>
    %dot_general3A_9 = tpu.matmul %convert_element_type3A_4, %convert_element_type3A_8, %dot_general3A {dimension_numbers = #tpu.dot_dimension_numbers<[1], [0], [0], [1], [0, 0, 1, 1], [], []>, transpose_lhs_hint = false} : vector<8192x256xbf16>, vector<256x256xbf16>, vector<8192x256xf32> -> vector<8192x256xf32>
    %mul3A = arith.constant 5.000000e-01 : f32
    %mul3A_10 = vector.broadcast %mul3A : f32 to vector<8192x256xf32>
    %mul3A_11 = arith.mulf %mul3A_10, %dot_general3A_9 : vector<8192x256xf32>
    %tanh3A = math.tanh %mul3A_11 : vector<8192x256xf32>
    %mul3A_12 = arith.constant 5.000000e-01 : f32
    %mul3A_13 = vector.broadcast %mul3A_12 : f32 to vector<8192x256xf32>
    %mul3A_14 = arith.mulf %mul3A_13, %tanh3A : vector<8192x256xf32>
    %add3A = arith.constant 5.000000e-01 : f32
    %add3A_15 = vector.broadcast %add3A : f32 to vector<8192x256xf32>
    %add3A_16 = arith.addf %mul3A_14, %add3A_15 : vector<8192x256xf32>
    %mul3A_17 = arith.mulf %get3A_3, %add3A_16 : vector<8192x256xf32>
    %mul3A_18 = arith.constant 8192 : i32
    %mul3A_19 = arith.muli %arg0, %mul3A_18 : i32
    %add3A_20 = arith.constant 0 : i32
    %add3A_21 = arith.addi %add3A_20, %mul3A_19 : i32
    %iota3A = tpu.iota {dimensions = array<i32: 1>} : vector<1x8192xi32>
    %add3A_22 = vector.broadcast %add3A_21 : i32 to vector<1x8192xi32>
    %add3A_23 = arith.addi %add3A_22, %iota3A : vector<1x8192xi32>
    %broadcast_in_dim3A = arith.constant 0 : i32
    %broadcast_in_dim3A_24 = vector.broadcast %broadcast_in_dim3A : i32 to vector<1x8192xi32>
    %get3A_25 = arith.constant 1 : index
    %get3A_26 = memref.load %arg1[%get3A_25] : memref<17xi32, #tpu.memory_space<smem>>
    %ge3A = vector.broadcast %get3A_26 : i32 to vector<1x8192xi32>
    %ge3A_27 = arith.cmpi sge, %add3A_23, %ge3A : vector<1x8192xi32>
    %convert_element_type3A_28 = arith.extui %ge3A_27 : vector<1x8192xi1> to vector<1x8192xi32>
    %add3A_29 = arith.addi %broadcast_in_dim3A_24, %convert_element_type3A_28 : vector<1x8192xi32>
    %get3A_30 = arith.constant 2 : index
    %get3A_31 = memref.load %arg1[%get3A_30] : memref<17xi32, #tpu.memory_space<smem>>
    %ge3A_32 = vector.broadcast %get3A_31 : i32 to vector<1x8192xi32>
    %ge3A_33 = arith.cmpi sge, %add3A_23, %ge3A_32 : vector<1x8192xi32>
    %convert_element_type3A_34 = arith.extui %ge3A_33 : vector<1x8192xi1> to vector<1x8192xi32>
    %add3A_35 = arith.addi %add3A_29, %convert_element_type3A_34 : vector<1x8192xi32>
    %get3A_36 = arith.constant 3 : index
    %get3A_37 = memref.load %arg1[%get3A_36] : memref<17xi32, #tpu.memory_space<smem>>
    %ge3A_38 = vector.broadcast %get3A_37 : i32 to vector<1x8192xi32>
    %ge3A_39 = arith.cmpi sge, %add3A_23, %ge3A_38 : vector<1x8192xi32>
    %convert_element_type3A_40 = arith.extui %ge3A_39 : vector<1x8192xi1> to vector<1x8192xi32>
    %add3A_41 = arith.addi %add3A_35, %convert_element_type3A_40 : vector<1x8192xi32>
    %get3A_42 = arith.constant 4 : index
    %get3A_43 = memref.load %arg1[%get3A_42] : memref<17xi32, #tpu.memory_space<smem>>
    %ge3A_44 = vector.broadcast %get3A_43 : i32 to vector<1x8192xi32>
    %ge3A_45 = arith.cmpi sge, %add3A_23, %ge3A_44 : vector<1x8192xi32>
    %convert_element_type3A_46 = arith.extui %ge3A_45 : vector<1x8192xi1> to vector<1x8192xi32>
    %add3A_47 = arith.addi %add3A_41, %convert_element_type3A_46 : vector<1x8192xi32>
    %get3A_48 = arith.constant 5 : index
    %get3A_49 = memref.load %arg1[%get3A_48] : memref<17xi32, #tpu.memory_space<smem>>
    %ge3A_50 = vector.broadcast %get3A_49 : i32 to vector<1x8192xi32>
    %ge3A_51 = arith.cmpi sge, %add3A_23, %ge3A_50 : vector<1x8192xi32>
    %convert_element_type3A_52 = arith.extui %ge3A_51 : vector<1x8192xi1> to vector<1x8192xi32>
    %add3A_53 = arith.addi %add3A_47, %convert_element_type3A_52 : vector<1x8192xi32>
    %get3A_54 = arith.constant 6 : index
    %get3A_55 = memref.load %arg1[%get3A_54] : memref<17xi32, #tpu.memory_space<smem>>
    %ge3A_56 = vector.broadcast %get3A_55 : i32 to vector<1x8192xi32>
    %ge3A_57 = arith.cmpi sge, %add3A_23, %ge3A_56 : vector<1x8192xi32>
    %convert_element_type3A_58 = arith.extui %ge3A_57 : vector<1x8192xi1> to vector<1x8192xi32>
    %add3A_59 = arith.addi %add3A_53, %convert_element_type3A_58 : vector<1x8192xi32>
    %get3A_60 = arith.constant 7 : index
    %get3A_61 = memref.load %arg1[%get3A_60] : memref<17xi32, #tpu.memory_space<smem>>
    %ge3A_62 = vector.broadcast %get3A_61 : i32 to vector<1x8192xi32>
    %ge3A_63 = arith.cmpi sge, %add3A_23, %ge3A_62 : vector<1x8192xi32>
    %convert_element_type3A_64 = arith.extui %ge3A_63 : vector<1x8192xi1> to vector<1x8192xi32>
    %add3A_65 = arith.addi %add3A_59, %convert_element_type3A_64 : vector<1x8192xi32>
    %get3A_66 = arith.constant 8 : index
    %get3A_67 = memref.load %arg1[%get3A_66] : memref<17xi32, #tpu.memory_space<smem>>
    %ge3A_68 = vector.broadcast %get3A_67 : i32 to vector<1x8192xi32>
    %ge3A_69 = arith.cmpi sge, %add3A_23, %ge3A_68 : vector<1x8192xi32>
    %convert_element_type3A_70 = arith.extui %ge3A_69 : vector<1x8192xi1> to vector<1x8192xi32>
    %add3A_71 = arith.addi %add3A_65, %convert_element_type3A_70 : vector<1x8192xi32>
    %get3A_72 = arith.constant 9 : index
    %get3A_73 = memref.load %arg1[%get3A_72] : memref<17xi32, #tpu.memory_space<smem>>
    %ge3A_74 = vector.broadcast %get3A_73 : i32 to vector<1x8192xi32>
    %ge3A_75 = arith.cmpi sge, %add3A_23, %ge3A_74 : vector<1x8192xi32>
    %convert_element_type3A_76 = arith.extui %ge3A_75 : vector<1x8192xi1> to vector<1x8192xi32>
    %add3A_77 = arith.addi %add3A_71, %convert_element_type3A_76 : vector<1x8192xi32>
    %get3A_78 = arith.constant 10 : index
    %get3A_79 = memref.load %arg1[%get3A_78] : memref<17xi32, #tpu.memory_space<smem>>
    %ge3A_80 = vector.broadcast %get3A_79 : i32 to vector<1x8192xi32>
    %ge3A_81 = arith.cmpi sge, %add3A_23, %ge3A_80 : vector<1x8192xi32>
    %convert_element_type3A_82 = arith.extui %ge3A_81 : vector<1x8192xi1> to vector<1x8192xi32>
    %add3A_83 = arith.addi %add3A_77, %convert_element_type3A_82 : vector<1x8192xi32>
    %get3A_84 = arith.constant 11 : index
    %get3A_85 = memref.load %arg1[%get3A_84] : memref<17xi32, #tpu.memory_space<smem>>
    %ge3A_86 = vector.broadcast %get3A_85 : i32 to vector<1x8192xi32>
    %ge3A_87 = arith.cmpi sge, %add3A_23, %ge3A_86 : vector<1x8192xi32>
    %convert_element_type3A_88 = arith.extui %ge3A_87 : vector<1x8192xi1> to vector<1x8192xi32>
    %add3A_89 = arith.addi %add3A_83, %convert_element_type3A_88 : vector<1x8192xi32>
    %get3A_90 = arith.constant 12 : index
    %get3A_91 = memref.load %arg1[%get3A_90] : memref<17xi32, #tpu.memory_space<smem>>
    %ge3A_92 = vector.broadcast %get3A_91 : i32 to vector<1x8192xi32>
    %ge3A_93 = arith.cmpi sge, %add3A_23, %ge3A_92 : vector<1x8192xi32>
    %convert_element_type3A_94 = arith.extui %ge3A_93 : vector<1x8192xi1> to vector<1x8192xi32>
    %add3A_95 = arith.addi %add3A_89, %convert_element_type3A_94 : vector<1x8192xi32>
    %get3A_96 = arith.constant 13 : index
    %get3A_97 = memref.load %arg1[%get3A_96] : memref<17xi32, #tpu.memory_space<smem>>
    %ge3A_98 = vector.broadcast %get3A_97 : i32 to vector<1x8192xi32>
    %ge3A_99 = arith.cmpi sge, %add3A_23, %ge3A_98 : vector<1x8192xi32>
    %convert_element_type3A_100 = arith.extui %ge3A_99 : vector<1x8192xi1> to vector<1x8192xi32>
    %add3A_101 = arith.addi %add3A_95, %convert_element_type3A_100 : vector<1x8192xi32>
    %get3A_102 = arith.constant 14 : index
    %get3A_103 = memref.load %arg1[%get3A_102] : memref<17xi32, #tpu.memory_space<smem>>
    %ge3A_104 = vector.broadcast %get3A_103 : i32 to vector<1x8192xi32>
    %ge3A_105 = arith.cmpi sge, %add3A_23, %ge3A_104 : vector<1x8192xi32>
    %convert_element_type3A_106 = arith.extui %ge3A_105 : vector<1x8192xi1> to vector<1x8192xi32>
    %add3A_107 = arith.addi %add3A_101, %convert_element_type3A_106 : vector<1x8192xi32>
    %get3A_108 = arith.constant 15 : index
    %get3A_109 = memref.load %arg1[%get3A_108] : memref<17xi32, #tpu.memory_space<smem>>
    %ge3A_110 = vector.broadcast %get3A_109 : i32 to vector<1x8192xi32>
    %ge3A_111 = arith.cmpi sge, %add3A_23, %ge3A_110 : vector<1x8192xi32>
    %convert_element_type3A_112 = arith.extui %ge3A_111 : vector<1x8192xi1> to vector<1x8192xi32>
    %add3A_113 = arith.addi %add3A_107, %convert_element_type3A_112 : vector<1x8192xi32>
    %iota3A_114 = tpu.iota {dimensions = array<i32: 0>} : vector<16x8192xi32>
    %eq3A_115 = vector.broadcast %add3A_113 : vector<1x8192xi32> to vector<16x8192xi32>
    %eq3A_116 = arith.cmpi eq, %iota3A_114, %eq3A_115 : vector<16x8192xi32>
    %convert_element_type3A_117 = arith.extui %eq3A_116 : vector<16x8192xi1> to vector<16x8192xi32>
    %convert_element_type3A_118 = arith.sitofp %convert_element_type3A_117 : vector<16x8192xi32> to vector<16x8192xf32>
    %convert_element_type3A_119 = arith.truncf %convert_element_type3A_118 : vector<16x8192xf32> to vector<16x8192xbf16>
    %get3A_120 = arith.constant 0 : index
    %get3A_121 = arith.constant 0 : index
    %get3A_122 = vector.load %arg5[%get3A_120, %get3A_121] : memref<16x256xf32, #tpu.memory_space<vmem>>, vector<16x256xf32>
    %convert_element_type3A_123 = arith.truncf %mul3A_17 : vector<8192x256xf32> to vector<8192x256xbf16>
    %dot_general3A_124 = arith.constant dense<0.000000e+00> : vector<16x256xf32>
    %dot_general3A_125 = tpu.matmul %convert_element_type3A_119, %convert_element_type3A_123, %dot_general3A_124 {dimension_numbers = #tpu.dot_dimension_numbers<[1], [0], [0], [1], [0, 0, 1, 1], [], []>, transpose_lhs_hint = false} : vector<16x8192xbf16>, vector<8192x256xbf16>, vector<16x256xf32> -> vector<16x256xf32>
    %add3A_126 = arith.addf %get3A_122, %dot_general3A_125 : vector<16x256xf32>
    %swap3A = arith.constant 0 : index
    %swap3A_127 = arith.constant 0 : index
    %swap3A_128 = vector.load %arg5[%swap3A, %swap3A_127] : memref<16x256xf32, #tpu.memory_space<vmem>>, vector<16x256xf32>
    tpu.vector_store %arg5[%swap3A, %swap3A_127], %add3A_126 {strides = array<i32>} : memref<16x256xf32, #tpu.memory_space<vmem>>, vector<16x256xf32>,
    %eq3A_129 = arith.constant 3 : i32
    %eq3A_130 = arith.cmpi eq, %arg0, %eq3A_129 : i32
    %convert_element_type3A_131 = arith.extui %eq3A_130 : i1 to i32
    %cond3A_132 = arith.constant 0 : i32
    %cond3A_133 = arith.cmpi ne, %convert_element_type3A_131, %cond3A_132 : i32
    scf.if %cond3A_133 {
      %get3A_134 = arith.constant 0 : index
      %get3A_135 = arith.constant 0 : index
      %get3A_136 = vector.load %arg5[%get3A_134, %get3A_135] : memref<16x256xf32, #tpu.memory_space<vmem>>, vector<16x256xf32>
      %iota3A_137 = tpu.iota {dimensions = array<i32: 0>} : vector<16x1xi32>
      %broadcast_in_dim3A_138 = arith.constant 0.000000e+00 : f32
      %broadcast_in_dim3A_139 = vector.broadcast %broadcast_in_dim3A_138 : f32 to vector<16x1xf32>
      %eq3A_140 = arith.constant 0 : i32
      %eq3A_141 = vector.broadcast %eq3A_140 : i32 to vector<16x1xi32>
      %eq3A_142 = arith.cmpi eq, %iota3A_137, %eq3A_141 : vector<16x1xi32>
      %get3A_143 = arith.constant 1 : index
      %get3A_144 = memref.load %arg1[%get3A_143] : memref<17xi32, #tpu.memory_space<smem>>
      %get3A_145 = arith.constant 0 : index
      %get3A_146 = memref.load %arg1[%get3A_145] : memref<17xi32, #tpu.memory_space<smem>>
      %sub3A = arith.subi %get3A_144, %get3A_146 : i32
      %convert_element_type3A_147 = arith.sitofp %sub3A : i32 to f32
      %jit3A = arith.constant 0.000000e+00 : f32
      %broadcast_in_dim3A_148 = vector.broadcast %convert_element_type3A_147 : f32 to vector<16x1xf32>
      %broadcast_in_dim3A_149 = vector.broadcast %jit3A : f32 to vector<16x1xf32>
      %select_n3A = arith.select %eq3A_142, %broadcast_in_dim3A_148, %broadcast_in_dim3A_149 : vector<16x1xi1>, vector<16x1xf32>
      %add3A_150 = arith.addf %broadcast_in_dim3A_139, %select_n3A : vector<16x1xf32>
      %eq3A_151 = arith.constant 1 : i32
      %eq3A_152 = vector.broadcast %eq3A_151 : i32 to vector<16x1xi32>
      %eq3A_153 = arith.cmpi eq, %iota3A_137, %eq3A_152 : vector<16x1xi32>
      %get3A_154 = arith.constant 2 : index
      %get3A_155 = memref.load %arg1[%get3A_154] : memref<17xi32, #tpu.memory_space<smem>>
      %get3A_156 = arith.constant 1 : index
      %get3A_157 = memref.load %arg1[%get3A_156] : memref<17xi32, #tpu.memory_space<smem>>
      %sub3A_158 = arith.subi %get3A_155, %get3A_157 : i32
      %convert_element_type3A_159 = arith.sitofp %sub3A_158 : i32 to f32
      %jit3A_160 = arith.constant 0.000000e+00 : f32
      %broadcast_in_dim3A_161 = vector.broadcast %convert_element_type3A_159 : f32 to vector<16x1xf32>
      %broadcast_in_dim3A_162 = vector.broadcast %jit3A_160 : f32 to vector<16x1xf32>
      %select_n3A_163 = arith.select %eq3A_153, %broadcast_in_dim3A_161, %broadcast_in_dim3A_162 : vector<16x1xi1>, vector<16x1xf32>
      %add3A_164 = arith.addf %add3A_150, %select_n3A_163 : vector<16x1xf32>
      %eq3A_165 = arith.constant 2 : i32
      %eq3A_166 = vector.broadcast %eq3A_165 : i32 to vector<16x1xi32>
      %eq3A_167 = arith.cmpi eq, %iota3A_137, %eq3A_166 : vector<16x1xi32>
      %get3A_168 = arith.constant 3 : index
      %get3A_169 = memref.load %arg1[%get3A_168] : memref<17xi32, #tpu.memory_space<smem>>
      %get3A_170 = arith.constant 2 : index
      %get3A_171 = memref.load %arg1[%get3A_170] : memref<17xi32, #tpu.memory_space<smem>>
      %sub3A_172 = arith.subi %get3A_169, %get3A_171 : i32
      %convert_element_type3A_173 = arith.sitofp %sub3A_172 : i32 to f32
      %jit3A_174 = arith.constant 0.000000e+00 : f32
      %broadcast_in_dim3A_175 = vector.broadcast %convert_element_type3A_173 : f32 to vector<16x1xf32>
      %broadcast_in_dim3A_176 = vector.broadcast %jit3A_174 : f32 to vector<16x1xf32>
      %select_n3A_177 = arith.select %eq3A_167, %broadcast_in_dim3A_175, %broadcast_in_dim3A_176 : vector<16x1xi1>, vector<16x1xf32>
      %add3A_178 = arith.addf %add3A_164, %select_n3A_177 : vector<16x1xf32>
      %eq3A_179 = arith.constant 3 : i32
      %eq3A_180 = vector.broadcast %eq3A_179 : i32 to vector<16x1xi32>
      %eq3A_181 = arith.cmpi eq, %iota3A_137, %eq3A_180 : vector<16x1xi32>
      %get3A_182 = arith.constant 4 : index
      %get3A_183 = memref.load %arg1[%get3A_182] : memref<17xi32, #tpu.memory_space<smem>>
      %get3A_184 = arith.constant 3 : index
      %get3A_185 = memref.load %arg1[%get3A_184] : memref<17xi32, #tpu.memory_space<smem>>
      %sub3A_186 = arith.subi %get3A_183, %get3A_185 : i32
      %convert_element_type3A_187 = arith.sitofp %sub3A_186 : i32 to f32
      %jit3A_188 = arith.constant 0.000000e+00 : f32
      %broadcast_in_dim3A_189 = vector.broadcast %convert_element_type3A_187 : f32 to vector<16x1xf32>
      %broadcast_in_dim3A_190 = vector.broadcast %jit3A_188 : f32 to vector<16x1xf32>
      %select_n3A_191 = arith.select %eq3A_181, %broadcast_in_dim3A_189, %broadcast_in_dim3A_190 : vector<16x1xi1>, vector<16x1xf32>
      %add3A_192 = arith.addf %add3A_178, %select_n3A_191 : vector<16x1xf32>
      %eq3A_193 = arith.constant 4 : i32
      %eq3A_194 = vector.broadcast %eq3A_193 : i32 to vector<16x1xi32>
      %eq3A_195 = arith.cmpi eq, %iota3A_137, %eq3A_194 : vector<16x1xi32>
      %get3A_196 = arith.constant 5 : index
      %get3A_197 = memref.load %arg1[%get3A_196] : memref<17xi32, #tpu.memory_space<smem>>
      %get3A_198 = arith.constant 4 : index
      %get3A_199 = memref.load %arg1[%get3A_198] : memref<17xi32, #tpu.memory_space<smem>>
      %sub3A_200 = arith.subi %get3A_197, %get3A_199 : i32
      %convert_element_type3A_201 = arith.sitofp %sub3A_200 : i32 to f32
      %jit3A_202 = arith.constant 0.000000e+00 : f32
      %broadcast_in_dim3A_203 = vector.broadcast %convert_element_type3A_201 : f32 to vector<16x1xf32>
      %broadcast_in_dim3A_204 = vector.broadcast %jit3A_202 : f32 to vector<16x1xf32>
      %select_n3A_205 = arith.select %eq3A_195, %broadcast_in_dim3A_203, %broadcast_in_dim3A_204 : vector<16x1xi1>, vector<16x1xf32>
      %add3A_206 = arith.addf %add3A_192, %select_n3A_205 : vector<16x1xf32>
      %eq3A_207 = arith.constant 5 : i32
      %eq3A_208 = vector.broadcast %eq3A_207 : i32 to vector<16x1xi32>
      %eq3A_209 = arith.cmpi eq, %iota3A_137, %eq3A_208 : vector<16x1xi32>
      %get3A_210 = arith.constant 6 : index
      %get3A_211 = memref.load %arg1[%get3A_210] : memref<17xi32, #tpu.memory_space<smem>>
      %get3A_212 = arith.constant 5 : index
      %get3A_213 = memref.load %arg1[%get3A_212] : memref<17xi32, #tpu.memory_space<smem>>
      %sub3A_214 = arith.subi %get3A_211, %get3A_213 : i32
      %convert_element_type3A_215 = arith.sitofp %sub3A_214 : i32 to f32
      %jit3A_216 = arith.constant 0.000000e+00 : f32
      %broadcast_in_dim3A_217 = vector.broadcast %convert_element_type3A_215 : f32 to vector<16x1xf32>
      %broadcast_in_dim3A_218 = vector.broadcast %jit3A_216 : f32 to vector<16x1xf32>
      %select_n3A_219 = arith.select %eq3A_209, %broadcast_in_dim3A_217, %broadcast_in_dim3A_218 : vector<16x1xi1>, vector<16x1xf32>
      %add3A_220 = arith.addf %add3A_206, %select_n3A_219 : vector<16x1xf32>
      %eq3A_221 = arith.constant 6 : i32
      %eq3A_222 = vector.broadcast %eq3A_221 : i32 to vector<16x1xi32>
      %eq3A_223 = arith.cmpi eq, %iota3A_137, %eq3A_222 : vector<16x1xi32>
      %get3A_224 = arith.constant 7 : index
      %get3A_225 = memref.load %arg1[%get3A_224] : memref<17xi32, #tpu.memory_space<smem>>
      %get3A_226 = arith.constant 6 : index
      %get3A_227 = memref.load %arg1[%get3A_226] : memref<17xi32, #tpu.memory_space<smem>>
      %sub3A_228 = arith.subi %get3A_225, %get3A_227 : i32
      %convert_element_type3A_229 = arith.sitofp %sub3A_228 : i32 to f32
      %jit3A_230 = arith.constant 0.000000e+00 : f32
      %broadcast_in_dim3A_231 = vector.broadcast %convert_element_type3A_229 : f32 to vector<16x1xf32>
      %broadcast_in_dim3A_232 = vector.broadcast %jit3A_230 : f32 to vector<16x1xf32>
      %select_n3A_233 = arith.select %eq3A_223, %broadcast_in_dim3A_231, %broadcast_in_dim3A_232 : vector<16x1xi1>, vector<16x1xf32>
      %add3A_234 = arith.addf %add3A_220, %select_n3A_233 : vector<16x1xf32>
      %eq3A_235 = arith.constant 7 : i32
      %eq3A_236 = vector.broadcast %eq3A_235 : i32 to vector<16x1xi32>
      %eq3A_237 = arith.cmpi eq, %iota3A_137, %eq3A_236 : vector<16x1xi32>
      %get3A_238 = arith.constant 8 : index
      %get3A_239 = memref.load %arg1[%get3A_238] : memref<17xi32, #tpu.memory_space<smem>>
      %get3A_240 = arith.constant 7 : index
      %get3A_241 = memref.load %arg1[%get3A_240] : memref<17xi32, #tpu.memory_space<smem>>
      %sub3A_242 = arith.subi %get3A_239, %get3A_241 : i32
      %convert_element_type3A_243 = arith.sitofp %sub3A_242 : i32 to f32
      %jit3A_244 = arith.constant 0.000000e+00 : f32
      %broadcast_in_dim3A_245 = vector.broadcast %convert_element_type3A_243 : f32 to vector<16x1xf32>
      %broadcast_in_dim3A_246 = vector.broadcast %jit3A_244 : f32 to vector<16x1xf32>
      %select_n3A_247 = arith.select %eq3A_237, %broadcast_in_dim3A_245, %broadcast_in_dim3A_246 : vector<16x1xi1>, vector<16x1xf32>
      %add3A_248 = arith.addf %add3A_234, %select_n3A_247 : vector<16x1xf32>
      %eq3A_249 = arith.constant 8 : i32
      %eq3A_250 = vector.broadcast %eq3A_249 : i32 to vector<16x1xi32>
      %eq3A_251 = arith.cmpi eq, %iota3A_137, %eq3A_250 : vector<16x1xi32>
      %get3A_252 = arith.constant 9 : index
      %get3A_253 = memref.load %arg1[%get3A_252] : memref<17xi32, #tpu.memory_space<smem>>
      %get3A_254 = arith.constant 8 : index
      %get3A_255 = memref.load %arg1[%get3A_254] : memref<17xi32, #tpu.memory_space<smem>>
      %sub3A_256 = arith.subi %get3A_253, %get3A_255 : i32
      %convert_element_type3A_257 = arith.sitofp %sub3A_256 : i32 to f32
      %jit3A_258 = arith.constant 0.000000e+00 : f32
      %broadcast_in_dim3A_259 = vector.broadcast %convert_element_type3A_257 : f32 to vector<16x1xf32>
      %broadcast_in_dim3A_260 = vector.broadcast %jit3A_258 : f32 to vector<16x1xf32>
      %select_n3A_261 = arith.select %eq3A_251, %broadcast_in_dim3A_259, %broadcast_in_dim3A_260 : vector<16x1xi1>, vector<16x1xf32>
      %add3A_262 = arith.addf %add3A_248, %select_n3A_261 : vector<16x1xf32>
      %eq3A_263 = arith.constant 9 : i32
      %eq3A_264 = vector.broadcast %eq3A_263 : i32 to vector<16x1xi32>
      %eq3A_265 = arith.cmpi eq, %iota3A_137, %eq3A_264 : vector<16x1xi32>
      %get3A_266 = arith.constant 10 : index
      %get3A_267 = memref.load %arg1[%get3A_266] : memref<17xi32, #tpu.memory_space<smem>>
      %get3A_268 = arith.constant 9 : index
      %get3A_269 = memref.load %arg1[%get3A_268] : memref<17xi32, #tpu.memory_space<smem>>
      %sub3A_270 = arith.subi %get3A_267, %get3A_269 : i32
      %convert_element_type3A_271 = arith.sitofp %sub3A_270 : i32 to f32
      %jit3A_272 = arith.constant 0.000000e+00 : f32
      %broadcast_in_dim3A_273 = vector.broadcast %convert_element_type3A_271 : f32 to vector<16x1xf32>
      %broadcast_in_dim3A_274 = vector.broadcast %jit3A_272 : f32 to vector<16x1xf32>
      %select_n3A_275 = arith.select %eq3A_265, %broadcast_in_dim3A_273, %broadcast_in_dim3A_274 : vector<16x1xi1>, vector<16x1xf32>
      %add3A_276 = arith.addf %add3A_262, %select_n3A_275 : vector<16x1xf32>
      %eq3A_277 = arith.constant 10 : i32
      %eq3A_278 = vector.broadcast %eq3A_277 : i32 to vector<16x1xi32>
      %eq3A_279 = arith.cmpi eq, %iota3A_137, %eq3A_278 : vector<16x1xi32>
      %get3A_280 = arith.constant 11 : index
      %get3A_281 = memref.load %arg1[%get3A_280] : memref<17xi32, #tpu.memory_space<smem>>
      %get3A_282 = arith.constant 10 : index
      %get3A_283 = memref.load %arg1[%get3A_282] : memref<17xi32, #tpu.memory_space<smem>>
      %sub3A_284 = arith.subi %get3A_281, %get3A_283 : i32
      %convert_element_type3A_285 = arith.sitofp %sub3A_284 : i32 to f32
      %jit3A_286 = arith.constant 0.000000e+00 : f32
      %broadcast_in_dim3A_287 = vector.broadcast %convert_element_type3A_285 : f32 to vector<16x1xf32>
      %broadcast_in_dim3A_288 = vector.broadcast %jit3A_286 : f32 to vector<16x1xf32>
      %select_n3A_289 = arith.select %eq3A_279, %broadcast_in_dim3A_287, %broadcast_in_dim3A_288 : vector<16x1xi1>, vector<16x1xf32>
      %add3A_290 = arith.addf %add3A_276, %select_n3A_289 : vector<16x1xf32>
      %eq3A_291 = arith.constant 11 : i32
      %eq3A_292 = vector.broadcast %eq3A_291 : i32 to vector<16x1xi32>
      %eq3A_293 = arith.cmpi eq, %iota3A_137, %eq3A_292 : vector<16x1xi32>
      %get3A_294 = arith.constant 12 : index
      %get3A_295 = memref.load %arg1[%get3A_294] : memref<17xi32, #tpu.memory_space<smem>>
      %get3A_296 = arith.constant 11 : index
      %get3A_297 = memref.load %arg1[%get3A_296] : memref<17xi32, #tpu.memory_space<smem>>
      %sub3A_298 = arith.subi %get3A_295, %get3A_297 : i32
      %convert_element_type3A_299 = arith.sitofp %sub3A_298 : i32 to f32
      %jit3A_300 = arith.constant 0.000000e+00 : f32
      %broadcast_in_dim3A_301 = vector.broadcast %convert_element_type3A_299 : f32 to vector<16x1xf32>
      %broadcast_in_dim3A_302 = vector.broadcast %jit3A_300 : f32 to vector<16x1xf32>
      %select_n3A_303 = arith.select %eq3A_293, %broadcast_in_dim3A_301, %broadcast_in_dim3A_302 : vector<16x1xi1>, vector<16x1xf32>
      %add3A_304 = arith.addf %add3A_290, %select_n3A_303 : vector<16x1xf32>
      %eq3A_305 = arith.constant 12 : i32
      %eq3A_306 = vector.broadcast %eq3A_305 : i32 to vector<16x1xi32>
      %eq3A_307 = arith.cmpi eq, %iota3A_137, %eq3A_306 : vector<16x1xi32>
      %get3A_308 = arith.constant 13 : index
      %get3A_309 = memref.load %arg1[%get3A_308] : memref<17xi32, #tpu.memory_space<smem>>
      %get3A_310 = arith.constant 12 : index
      %get3A_311 = memref.load %arg1[%get3A_310] : memref<17xi32, #tpu.memory_space<smem>>
      %sub3A_312 = arith.subi %get3A_309, %get3A_311 : i32
      %convert_element_type3A_313 = arith.sitofp %sub3A_312 : i32 to f32
      %jit3A_314 = arith.constant 0.000000e+00 : f32
      %broadcast_in_dim3A_315 = vector.broadcast %convert_element_type3A_313 : f32 to vector<16x1xf32>
      %broadcast_in_dim3A_316 = vector.broadcast %jit3A_314 : f32 to vector<16x1xf32>
      %select_n3A_317 = arith.select %eq3A_307, %broadcast_in_dim3A_315, %broadcast_in_dim3A_316 : vector<16x1xi1>, vector<16x1xf32>
      %add3A_318 = arith.addf %add3A_304, %select_n3A_317 : vector<16x1xf32>
      %eq3A_319 = arith.constant 13 : i32
      %eq3A_320 = vector.broadcast %eq3A_319 : i32 to vector<16x1xi32>
      %eq3A_321 = arith.cmpi eq, %iota3A_137, %eq3A_320 : vector<16x1xi32>
      %get3A_322 = arith.constant 14 : index
      %get3A_323 = memref.load %arg1[%get3A_322] : memref<17xi32, #tpu.memory_space<smem>>
      %get3A_324 = arith.constant 13 : index
      %get3A_325 = memref.load %arg1[%get3A_324] : memref<17xi32, #tpu.memory_space<smem>>
      %sub3A_326 = arith.subi %get3A_323, %get3A_325 : i32
      %convert_element_type3A_327 = arith.sitofp %sub3A_326 : i32 to f32
      %jit3A_328 = arith.constant 0.000000e+00 : f32
      %broadcast_in_dim3A_329 = vector.broadcast %convert_element_type3A_327 : f32 to vector<16x1xf32>
      %broadcast_in_dim3A_330 = vector.broadcast %jit3A_328 : f32 to vector<16x1xf32>
      %select_n3A_331 = arith.select %eq3A_321, %broadcast_in_dim3A_329, %broadcast_in_dim3A_330 : vector<16x1xi1>, vector<16x1xf32>
      %add3A_332 = arith.addf %add3A_318, %select_n3A_331 : vector<16x1xf32>
      %eq3A_333 = arith.constant 14 : i32
      %eq3A_334 = vector.broadcast %eq3A_333 : i32 to vector<16x1xi32>
      %eq3A_335 = arith.cmpi eq, %iota3A_137, %eq3A_334 : vector<16x1xi32>
      %get3A_336 = arith.constant 15 : index
      %get3A_337 = memref.load %arg1[%get3A_336] : memref<17xi32, #tpu.memory_space<smem>>
      %get3A_338 = arith.constant 14 : index
      %get3A_339 = memref.load %arg1[%get3A_338] : memref<17xi32, #tpu.memory_space<smem>>
      %sub3A_340 = arith.subi %get3A_337, %get3A_339 : i32
      %convert_element_type3A_341 = arith.sitofp %sub3A_340 : i32 to f32
      %jit3A_342 = arith.constant 0.000000e+00 : f32
      %broadcast_in_dim3A_343 = vector.broadcast %convert_element_type3A_341 : f32 to vector<16x1xf32>
      %broadcast_in_dim3A_344 = vector.broadcast %jit3A_342 : f32 to vector<16x1xf32>
      %select_n3A_345 = arith.select %eq3A_335, %broadcast_in_dim3A_343, %broadcast_in_dim3A_344 : vector<16x1xi1>, vector<16x1xf32>
      %add3A_346 = arith.addf %add3A_332, %select_n3A_345 : vector<16x1xf32>
      %eq3A_347 = arith.constant 15 : i32
      %eq3A_348 = vector.broadcast %eq3A_347 : i32 to vector<16x1xi32>
      %eq3A_349 = arith.cmpi eq, %iota3A_137, %eq3A_348 : vector<16x1xi32>
      %get3A_350 = arith.constant 16 : index
      %get3A_351 = memref.load %arg1[%get3A_350] : memref<17xi32, #tpu.memory_space<smem>>
      %get3A_352 = arith.constant 15 : index
      %get3A_353 = memref.load %arg1[%get3A_352] : memref<17xi32, #tpu.memory_space<smem>>
      %sub3A_354 = arith.subi %get3A_351, %get3A_353 : i32
      %convert_element_type3A_355 = arith.sitofp %sub3A_354 : i32 to f32
      %jit3A_356 = arith.constant 0.000000e+00 : f32
      %broadcast_in_dim3A_357 = vector.broadcast %convert_element_type3A_355 : f32 to vector<16x1xf32>
      %broadcast_in_dim3A_358 = vector.broadcast %jit3A_356 : f32 to vector<16x1xf32>
      %select_n3A_359 = arith.select %eq3A_349, %broadcast_in_dim3A_357, %broadcast_in_dim3A_358 : vector<16x1xi1>, vector<16x1xf32>
      %add3A_360 = arith.addf %add3A_346, %select_n3A_359 : vector<16x1xf32>
      %max3A = arith.constant 1.000000e+00 : f32
      %max3A_361 = vector.broadcast %max3A : f32 to vector<16x1xf32>
      %max3A_362 = arith.maximumf %add3A_360, %max3A_361 : vector<16x1xf32>
      %div3A = vector.broadcast %max3A_362 : vector<16x1xf32> to vector<16x256xf32>
      %div3A_363 = arith.divf %get3A_136, %div3A : vector<16x256xf32>
      %swap3A_364 = arith.constant 0 : index
      %swap3A_365 = arith.constant 0 : index
      %swap3A_366 = vector.load %arg4[%swap3A_364, %swap3A_365] : memref<16x256xf32, #tpu.memory_space<vmem>>, vector<16x256xf32>
      tpu.vector_store %arg4[%swap3A_364, %swap3A_365], %div3A_363 {strides = array<i32>} : memref<16x256xf32, #tpu.memory_space<vmem>>, vector<16x256xf32>,
    } else {
    }
    return
  }
  func.func @transform_0(%arg0: i32, %arg1: memref<17xi32, #tpu.memory_space<smem>>) -> (i32, i32) {
    %c0_i32 = arith.constant 0 : i32
    %c0_i32_0 = arith.constant 0 : i32
    return %arg0, %c0_i32 : i32, i32
  }
  func.func @transform_1(%arg0: i32, %arg1: memref<17xi32, #tpu.memory_space<smem>>) -> (i32, i32) {
    %c0_i32 = arith.constant 0 : i32
    %c0_i32_0 = arith.constant 0 : i32
    %c0_i32_1 = arith.constant 0 : i32
    return %c0_i32, %c0_i32_0 : i32, i32
  }
  func.func @transform_2(%arg0: i32, %arg1: memref<17xi32, #tpu.memory_space<smem>>) -> (i32, i32) {
    %c0_i32 = arith.constant 0 : i32
    %c0_i32_0 = arith.constant 0 : i32
    %c0_i32_1 = arith.constant 0 : i32
    return %c0_i32, %c0_i32_0 : i32, i32
  }
}

</mosaic_0001>

<sc_bundles>
// kernel: kernel.4.cloned.1.call-start
scs
__scs_entry_jumppad:
0x0: {  	(pc) =	sbr.rel $0x88, $3  }
0x1: {  	(tag) =	ssettag $0x0;
	lr =	simm.s32 $0x1  }
0x2: {  	[smem:$0x3F9D] =	sst lr;
	_ =	strace $0xD0000000  }
0x3: {  	_ = 	snop  }
0x4: {  	_ = 	snop  }
0x5: {  	_ = 	snop  }
0x6: {  	_ = 	snop  }
0x7: {  	_ = 	snop  }
__scs_overlays_trampoline_lowered:
0x8: {  	[smem:$0x3FAC] =	sst s0  }
0x9: {  	[smem:$0x3FAD] =	sst s1  }
0xa: {  	[smem:$0x3FAE] =	sst s2  }
0xb: {  	[smem:$0x3FAF] =	sst s3  }
0xc: {  	[smem:$0x3FB0] =	sst s4  }
0xd: {  	[smem:$0x3FB1] =	sst s5  }
0xe: {  	[smem:$0x3FB2] =	sst s6  }
0xf: {  	[smem:$0x3FB3] =	sst s7  }
0x10: {  	[smem:$0x3FB4] =	sst s8  }
0x11: {  	[smem:$0x3FB5] =	sst s9;
	s0 =	simm.s32 @!p0 $0x0  }
0x12: {  	s1 =	sld [smem:$0x3F9B];
	s0 =	simm.s32 @p0 $0x1  }
0x13: {  	[smem:$0x3FB6] =	sst s0;
	s0 =	simm.s32 @!p1 $0x0  }
0x14: {  	s2 =	sld [smem:$0x3F9A];
	s0 =	simm.s32 @p1 $0x1  }
0x15: {  	[smem:$0x3FB7] =	sst s0;
	s0 =	simm.s32 @!p2 $0x0  }
0x16: {  	s3 =	sld [smem:$0x3FDB];
	s0 =	simm.s32 @p2 $0x1  }
0x17: {  	s4 =	simm.s32 $0x1BF5;
	[smem:$0x3FB9] =	sst s0  }
0x18: {  	s0 =	sld [smem:$0x3F9C];
	_ =	swait.ge [sflag:s4], $0x0  }
0x19: {  	s7 =	sld [smem:$0x3F9D]  }
0x1a: {  	s8 =	sadd.s32 $0xFFFFE003, lr  }
0x1b: {  	s9 =	sadd.s32 $0xFFFFFEF7, lr;
	s5 =	simm.s32 $0xFFFFFFFF;
	p2 =	slt.u32 s8, $0xFFFFF086  }
0x1c: {  	p1 =	slt.u32 s9, $0xF7A;
	s5 =	simm.s32 @!p2 $0x0  }
0x1d: {  	s5 =	simm.s32 @p1 $0x1;
	p0 =	seq.s32 s7, s2  }
0x1e: {  	s7 =	smul.u32 @!p0 $0xF7A, s2;
	p2 =	seq.s32 @!p0 s5, $0x0  }
0x1f: {  	s9 =	smul.u32 $0xF7A, s1;
	s8 =	simm.s32 @!p0 $0x1BF5;
	p2 =	por !p2, p0  }
0x20: {  	[sflag:s8] =	ssyncset.s32 @!p0 $0xFFFFF086;
	s6 =	sadd.s32 @!p0 s3, s7;
	s7 =	simm.s32 @!p0 $0x108  }
0x21: {  	s3 =	sadd.s32 s3, s9;
	s6 =	sadd.s32 @!p0 $0x88, s6;
	s7 =	simm.s32 @p2 $0x1082  }
0x22: {  	[simem:s7], [sflag:s8] =	dma.local @!p0 [hbm:s6], $0xF7A  }
0x23: {  	s9 =	sor.u32 $0xD0000000, s2;
	s6 =	simm.s32 $0x108;
	_ =	swait.ge @!p0 [sflag:s8], $0x0  }
0x24: {  	s3 =	sadd.s32 $0x88, s3;
	s6 =	simm.s32 @!p1 $0x1082;
	[sflag:s4] =	ssyncset.s32 $0xFFFFF086  }
0x25: {  	[simem:s6], [sflag:s4] =	dma.local [hbm:s3], $0xF7A  }
0x26: {  	[smem:$0x3F9D] =	sst s1;
	(tag) =	ssettag s2;
	_ =	strace s9  }
0x27: {  	s1 =	sld [smem:$0x3FAD]  }
0x28: {  	s2 =	sld [smem:$0x3FAE]  }
0x29: {  	s4 =	sld [smem:$0x3FB0]  }
0x2a: {  	p0 =	seq.s32 s5, $0x0;
	s5 =	sld [smem:$0x3FB1]  }
0x2b: {  	s6 =	sld [smem:$0x3FB2]  }
0x2c: {  	s7 =	sld [smem:$0x3FB3]  }
0x2d: {  	s3 =	simm.s32 $0x108;
	s8 =	sld [smem:$0x3FB4]  }
0x2e: {  	s3 =	simm.s32 @!p0 $0x1082;
	s9 =	sld [smem:$0x3FB5]  }
0x2f: {  	lr =	sadd.s32 s0, s3;
	s0 =	sld [smem:$0x3FAC]  }
0x30: {  	s3 =	sld [smem:$0x3FAF]  }
0x31: {  	[smem:$0x3FB8] =	sst s10  }
0x32: {  	s10 =	sld [smem:$0x3FB6];
	_ =	sdelay $0x3  }
0x33: {  	p0 =	seq.s32 s10, $0x1;
	s10 =	sld [smem:$0x3FB8];
	_ =	sdelay $0x3  }
0x34: {  	[smem:$0x3FB8] =	sst s10  }
0x35: {  	s10 =	sld [smem:$0x3FB7];
	_ =	sdelay $0x3  }
0x36: {  	p1 =	seq.s32 s10, $0x1;
	s10 =	sld [smem:$0x3FB8];
	_ =	sdelay $0x3  }
0x37: {  	[smem:$0x3FB8] =	sst s10  }
0x38: {  	s10 =	sld [smem:$0x3FB9]  }
0x39: {  	_ = 	snop;
	(pc) =	sbr.ind lr, $3  }
0x3a: {  	_ = 	snop  }
0x3b: {  	_ = 	snop  }
0x3c: {  	p2 =	seq.s32 s10, $0x1;
	s10 =	sld [smem:$0x3FB8]  }
0x3d: {  	_ =	shalt  }
0x3e: {  	_ =	shalt  }
0x3f: {  	_ =	shalt  }
0x40: {  	_ =	shalt  }
0x41: {  	_ =	shalt  }
0x42: {  	_ =	shalt  }
0x43: {  	_ =	shalt  }
0x44: {  	_ =	shalt  }
0x45: {  	_ =	shalt  }
0x46: {  	_ =	shalt  }
0x47: {  	_ =	shalt  }
0x48: {  	_ =	shalt  }
0x49: {  	_ =	shalt  }
0x4a: {  	_ =	shalt  }
0x4b: {  	_ =	shalt  }
0x4c: {  	_ =	shalt  }
0x4d: {  	_ =	shalt  }
0x4e: {  	_ =	shalt  }
0x4f: {  	_ =	shalt  }
0x50: {  	_ =	shalt  }
0x51: {  	_ =	shalt  }
0x52: {  	_ =	shalt  }
0x53: {  	_ =	shalt  }
0x54: {  	_ =	shalt  }
0x55: {  	_ =	shalt  }
0x56: {  	_ =	shalt  }
0x57: {  	_ =	shalt  }
0x58: {  	_ =	shalt  }
0x59: {  	_ =	shalt  }
0x5a: {  	_ =	shalt  }
0x5b: {  	_ =	shalt  }
0x5c: {  	_ =	shalt  }
0x5d: {  	_ =	shalt  }
0x5e: {  	_ =	shalt  }
0x5f: {  	_ =	shalt  }
0x60: {  	_ =	shalt  }
0x61: {  	_ =	shalt  }
0x62: {  	_ =	shalt  }
0x63: {  	_ =	shalt  }
0x64: {  	_ =	shalt  }
0x65: {  	_ =	shalt  }
0x66: {  	_ =	shalt  }
0x67: {  	_ =	shalt  }
0x68: {  	_ =	shalt  }
0x69: {  	_ =	shalt  }
0x6a: {  	_ =	shalt  }
0x6b: {  	_ =	shalt  }
0x6c: {  	_ =	shalt  }
0x6d: {  	_ =	shalt  }
0x6e: {  	_ =	shalt  }
0x6f: {  	_ =	shalt  }
0x70: {  	_ =	shalt  }
0x71: {  	_ =	shalt  }
0x72: {  	_ =	shalt  }
0x73: {  	_ =	shalt  }
0x74: {  	_ =	shalt  }
0x75: {  	_ =	shalt  }
0x76: {  	_ =	shalt  }
0x77: {  	_ =	shalt  }
0x78: {  	_ =	shalt  }
0x79: {  	_ =	shalt  }
0x7a: {  	_ =	shalt  }
0x7b: {  	_ =	shalt  }
0x7c: {  	_ =	shalt  }
0x7d: {  	_ =	shalt  }
0x7e: {  	_ =	shalt  }
0x7f: {  	_ =	shalt  }
0x80: {  	_ =	shalt  }
0x81: {  	_ =	shalt  }
0x82: {  	_ =	shalt  }
0x83: {  	_ =	shalt  }
0x84: {  	_ =	shalt  }
0x85: {  	_ =	shalt  }
0x86: {  	_ =	shalt  }
0x87: {  	_ =	shalt  }
.Lfunc_end0:
.L_simem_size_0:
called_computation_lowered:
.L_overlay_start_0:
0x88: {  	s2 =	sld [smem:$0x3FD9]  }
0x89: {  	s3 =	sld [smem:$0x3FFE];
	_ =	sdelay $0x1  }
0x8a: {  	s1 =	srdreg.scid  }
0x8b: {  	s0 =	sand.u32 $0x1, s1  }
0x8c: {  	s17 =	sshll.u32 s0, $0xA;
	s2 =	sadd.s32 s3, s2  }
0x8d: {  	s2 =	sadd.s32 s2, s17  }
0x8e: {  	[smem:$0x3FC4] =	sst s2  }
0x8f: {  	_ = 	snop  }
0x90: {  	s2 =	sld [smem:$0x3FC7];
	(tm) =	ssettm $0x1  }
0x91: {  	s18 =	sld [smem:$0x3FFB];
	_ =	sdelay $0x3  }
0x92: {  	_ =	strace s18  }
0x93: {  	s3 =	sld [smem:$0x3FFC];
	_ =	sdelay $0x3  }
0x94: {  	_ =	strace s3  }
0x95: {  	s3 =	sld [smem:$0x3FFD];
	_ =	sdelay $0x3  }
0x96: {  	_ =	strace s3  }
0x97: {  	_ =	strace $0x8FFFFFFF  }
0x98: {  	s19 =	sld [smem:$0x3FDB];
	_ =	sdelay $0x1  }
0x99: {  	s4 =	simm.s32 $_scs_section_size  }
0x9a: {  	s5 =	simm.s32 $_size__tile_overlayer_lowered;
	s6 =	simm.s32 $_tile_overlayer_lowered  }
0x9b: {  	s22 =	simm.s32 $0x1BFF;
	s21 =	sshll.u32 s6, $0x1;
	s3 =	sadd.s32 s4, s19  }
0x9c: {  	s7 =	simm.s32 $0x0;
	s20 =	sshll.u32 s5, $0x1;
	s5 =	sadd.s32 s21, s3  }
0x9d: {  	[timem:s7], [sflag:s22] =	dma.local [hbm:s5], s20  }
0x9e: {  	_ =	swait.ge [sflag:s22], s20  }
0x9f: {  	s4 =	ssub.s32 $0x0, s20;
	[sflag:s22] =	ssyncset.done $0x0  }
0xa0: {  	[sflag:s22] =	ssyncadd.s32 s4;
	_ =	sdelay $0x1  }
0xa1: {  	s23 =	simm.s32 $0x1B8B  }
0xa2: {  	_ =	swait.ge [sflag:s23], $0x1  }
0xa3: {  	[sflag:s23] =	ssyncset.done $0x0  }
0xa4: {  	s25 =	simm.s32 $0x1B8E;
	s24 =	sld [smem:$0x3FFE];
	[sflag:s23] =	ssyncadd.s32 $0xFFFFFFFF  }
0xa5: {  	s26 =	simm.s32 $execute0_lowered;
	[smem:$0x3FD2] =	sst s25  }
0xa6: {  	s5 =	sshll.u32 s26, $0x1;
	_ =	strace $0x80000046;
	[dreg:$0x1] =	wrdreg $0xFFFFFFFF  }
0xa7: {  	s28 =	simm.s32 $_size_execute0_lowered;
	s3 =	sadd.s32 s3, s5;
	[dreg:$0x0] =	wrdreg $0x0  }
0xa8: {  	s5 =	sshll.u32 s28, $0x1;
	[dreg:$0x2] =	wrdreg s3  }
0xa9: {  	[dreg:$0x3] =	wrdreg s5  }
0xaa: {  	[dreg:$0x4] =	wrdreg $0xC0  }
0xab: {  	_ =	task [dreg:s7], $0x5FFFF  }
0xac: {  	[dreg:$0x1] =	wrdreg $0xFFFFFFFF  }
0xad: {  	[dreg:$0x0] =	wrdreg $0x60  }
0xae: {  	[dreg:$0x2] =	wrdreg s24  }
0xaf: {  	[dreg:$0x3] =	wrdreg s2  }
0xb0: {  	[dreg:$0x4] =	wrdreg $0x9  }
0xb1: {  	_ =	task.clear_ibuf [dreg:s7], $0x5FFFF;
	_ =	strace $0x90000046  }
0xb2: {  	s29 =	simm.s32 $0x9;
	_ =	strace $0x80000048  }
0xb3: {  	_ =	swait.ge [sflag:s29], $0x1  }
0xb4: {  	[sflag:s29] =	ssyncadd.s32 $0xFFFFFFFF  }
0xb5: {  	_ =	strace $0x90000048  }
0xb6: {  	_ =	sfence  }
0xb7: {  	s30 =	sld [smem:$0x0];
	_ =	sdelay $0x2  }
0xb8: {  	s31 =	sshll.u32 s1, $0xD;
	s1 =	sshrl.u32 s1, $0x2  }
0xb9: {  	s3 =	sand.u32 $0x4000, s31;
	s1 =	sadd.s32 s1, s30  }
0xba: {  	s0 =	sor.u32 s3, s0;
	s1 =	sshll.u32 s1, $0x11  }
0xbb: {  	s0 =	sor.u32 s1, s0  }
0xbc: {  	s0 =	sadd.s32 $0x8F2B, s0  }
0xbd: {  	[sflag:s0] =	ssyncadd.remote.s32 $0x1  }
0xbe: {  	_ =	sfence.sel $0xFFFF  }
0xbf: {  	[dreg:$0x0] =	wrdreg $0xFFFFFFFF;
	(pc) =	sbr.abs _section_cstart, $3  }
0xc0: {  	[dreg:$0x1] =	wrdreg $0xFFFFFFFF  }
0xc1: {  	_ =	task.clear_ibuf [dreg:s7], $0x2FFFF;
	_ =	strace $0x9FFFFFFF  }
0xc2: {  	(tm) =	ssettm $0x7FFFFFFF  }
0xc3: {  	_ =	shalt  }
tec
execute0_lowered:
.L_overlay_start_1:
0x0: {  	(tag) =	ssettag $0x1  }
0x1: {  	s0 =	srdreg.scid;
	s2 =	stileid.u32  }
0x2: {  	s0 =	sand.u32 $0x1, s0;
	s3 =	sshll.u32 s2, $0x1  }
0x3: {  	s1 =	rddreg [dreg:$0x0];
	s4 =	sor.u32 s0, s3  }
0x4: {  	s2 =	rddreg [dreg:$0x1];
	s5 =	sshll.u32 s4, $0x8  }
0x5: {  	s3 =	simm.s32 $0x0;
	s4 =	sshll.u32 s4, $0xF;
	s5 =	sadd.s32 s5, s1  }
0x6: {  	[smem:$0x7FF] =	sst s3;
	s1 =	sadd.s32 s4, s1;
	s11 =	sadd.s32 $0x800, s5  }
0x7: {  	_ =	strace $0x80000047;
	s12 =	sadd.s32 $0x2800, s1;
	[dreg:$0x3] =	wrdreg s11  }
0x8: {  	s13 =	sadd.s32 $0x3000, s1;
	[dreg:$0x4] =	wrdreg s12  }
0x9: {  	s14 =	sadd.s32 $0x3800, s1;
	[dreg:$0x5] =	wrdreg s13  }
0xa: {  	s15 =	sadd.s32 $0x4000, s1;
	[dreg:$0x6] =	wrdreg s14  }
0xb: {  	s16 =	sadd.s32 $0x4800, s1;
	[dreg:$0x7] =	wrdreg s15  }
0xc: {  	s31 =	simm.s32 $0x8800;
	s17 =	sadd.s32 $0x5000, s1;
	[dreg:$0x8] =	wrdreg s16  }
0xd: {  	s9 =	simm.s32 $0x13800;
	s18 =	sadd.s32 $0x5800, s1;
	[dreg:$0x9] =	wrdreg s17  }
0xe: {  	s10 =	simm.s32 $0x14000;
	s19 =	sadd.s32 $0x6000, s1;
	[dreg:$0xa] =	wrdreg s18  }
0xf: {  	s29 =	simm.s32 $0x15800;
	s20 =	sadd.s32 $0x6800, s1;
	[dreg:$0xb] =	wrdreg s19  }
0x10: {  	s30 =	simm.s32 $0x16000;
	s21 =	sadd.s32 $0x7000, s1;
	[dreg:$0xc] =	wrdreg s20  }
0x11: {  	s0 =	ssub.s32 $0x2, s0;
	s22 =	sadd.s32 $0x7800, s1;
	[dreg:$0xd] =	wrdreg s21  }
0x12: {  	s26 =	sshrl.u32 s0, $0x1;
	s23 =	sadd.s32 $0x8000, s1;
	[dreg:$0xe] =	wrdreg s22  }
0x13: {  	s0 =	ssub.s32 s0, s26;
	s24 =	sadd.s32 $0x8800, s1;
	[dreg:$0xf] =	wrdreg s23  }
0x14: {  	s26 =	simm.s32 $0x17800;
	s25 =	sadd.s32 $0x9000, s1;
	[dreg:$0x10] =	wrdreg s24  }
0x15: {  	s28 =	sadd.s32 $0x9800, s1;
	s1 =	sadd.s32 $0xA000, s1;
	[dreg:$0x11] =	wrdreg s25  }
0x16: {  	s4 =	smax.u32 s0, $0x1;
	s5 =	simm.s32 $0x10800;
	[dreg:$0x12] =	wrdreg s28  }
0x17: {  	[dreg:$0x13] =	wrdreg s1;
	s25 =	simm.s32 $0x1;
	s13 =	simm.s32 $0x2  }
0x18: {  	s16 =	simm.s32 $0x3;
	s17 =	simm.s32 $0x7;
	s18 =	simm.s32 $0x4  }
0x19: {  	v2 =	vlaneseq.u32;
	s19 =	simm.s32 $0x8;
	s21 =	simm.s32 $0x9;
	s24 =	simm.s32 $0xA  }
0x1a: {  	vm0 =	vmmov $0xffff;
	v1 =	vshrl.u32 v2, $0x3;
	s22 =	simm.s32 $0x4800;
	s20 =	simm.s32 $0xC800;
	s12 =	simm.s32 $0x11000  }
0x1b: {  	v0 =	vand.u32 $0x7, v2;
	v2 =	vor.u32 $0x8, v2;
	v1 =	vmul.u32 $0x8, v1;
	s14 =	simm.s32 $0x11800;
	s15 =	simm.s32 $0x14800;
	s23 =	simm.s32 $0x800  }
.LBB2_1:
0x1c: {  	s28 =	rddreg [dreg:$0x3];
	s11 =	simm.s32 $0xD  }
0x1d: {  	[tilespmem:s3], [sflag:$0xD] =	stream.linear.gather [hbm4b:s28+s3], $0x800, $0x38;
	[tilespmem:$0x18800] =	vst v63  }
0x1e: {  	_ =	swait.ge [sflag:s11], $0x800  }
0x1f: {  	[sflag:s11] =	ssyncset.done $0x0  }
0x20: {  	[sflag:s11] =	ssyncadd.s32 $0xFFFFF800  }
0x21: {  	v3 =	vld [tilespmem:$0x0];
	_ =	sdelay $0x4  }
0x22: {  	v4 =	vshll.u32 v3, $0x1  }
0x23: {  	v3 =	vand.u32 $0x7, v3;
	v4 =	vand.u32 $0xFFFFFFF0, v4  }
0x24: {  	v3 =	vor.u32 v3, v4  }
0x25: {  	v4 =	vperm.xlane v3, v0;
	_ =	sdelay $0x1  }
0x26: {  	v3 =	vperm.xlane v3, v2;
	v4 =	vadd.s32 v1, v4;
	_ =	sdelay $0x1  }
0x27: {  	v3 =	vadd.s32 v1, v3;
	_ =	sdelay $0x1  }
0x28: {  	s0 =	simm.s32 $0x800  }
0x29: {  	[tilespmem:s0], [sflag:$0x1] =	stream.indirect_vreg.gather [hbm4b:s2+s3], $0x80, v4, vm0, $0xb8;
	[tilespmem:$0x18800] =	vst v63  }
0x2a: {  	s1 =	simm.s32 $0x1000  }
0x2b: {  	[tilespmem:s1], [sflag:$0x1] =	stream.indirect_vreg.gather [hbm4b:s2+s3], $0x80, v3, vm0, $0xb8;
	[tilespmem:$0x18800] =	vst v63  }
0x2c: {  	v3 =	vld [tilespmem:$0x10];
	_ =	sdelay $0x4  }
0x2d: {  	v57 =	vshll.u32 v3, $0x1  }
0x2e: {  	v3 =	vand.u32 $0x7, v3;
	v4 =	vand.u32 $0xFFFFFFF0, v57  }
0x2f: {  	v3 =	vor.u32 v3, v4  }
0x30: {  	v4 =	vperm.xlane v3, v0;
	_ =	sdelay $0x1  }
0x31: {  	v3 =	vperm.xlane v3, v2;
	v4 =	vadd.s32 v1, v4;
	_ =	sdelay $0x1  }
0x32: {  	v3 =	vadd.s32 v1, v3;
	_ =	sdelay $0x1  }
0x33: {  	s28 =	simm.s32 $0x1800  }
0x34: {  	[tilespmem:s28], [sflag:$0x1] =	stream.indirect_vreg.gather [hbm4b:s2+s3], $0x80, v4, vm0, $0xb8;
	[tilespmem:$0x18800] =	vst v63  }
0x35: {  	s6 =	simm.s32 $0x2000  }
0x36: {  	[tilespmem:s6], [sflag:$0x1] =	stream.indirect_vreg.gather [hbm4b:s2+s3], $0x80, v3, vm0, $0xb8;
	[tilespmem:$0x18800] =	vst v63  }
0x37: {  	v3 =	vld [tilespmem:$0x20];
	_ =	sdelay $0x4  }
0x38: {  	v58 =	vshll.u32 v3, $0x1  }
0x39: {  	v3 =	vand.u32 $0x7, v3;
	v4 =	vand.u32 $0xFFFFFFF0, v58  }
0x3a: {  	v3 =	vor.u32 v3, v4  }
0x3b: {  	v4 =	vperm.xlane v3, v0;
	_ =	sdelay $0x1  }
0x3c: {  	v3 =	vperm.xlane v3, v2;
	v4 =	vadd.s32 v1, v4;
	_ =	sdelay $0x1  }
0x3d: {  	v3 =	vadd.s32 v1, v3;
	_ =	sdelay $0x1  }
0x3e: {  	s7 =	simm.s32 $0x2800  }
0x3f: {  	[tilespmem:s7], [sflag:$0x1] =	stream.indirect_vreg.gather [hbm4b:s2+s3], $0x80, v4, vm0, $0xb8;
	[tilespmem:$0x18800] =	vst v63  }
0x40: {  	s8 =	simm.s32 $0x3000  }
0x41: {  	[tilespmem:s8], [sflag:$0x1] =	stream.indirect_vreg.gather [hbm4b:s2+s3], $0x80, v3, vm0, $0xb8;
	[tilespmem:$0x18800] =	vst v63  }
0x42: {  	v3 =	vld [tilespmem:$0x30];
	_ =	sdelay $0x4  }
0x43: {  	v59 =	vshll.u32 v3, $0x1  }
0x44: {  	v3 =	vand.u32 $0x7, v3;
	v4 =	vand.u32 $0xFFFFFFF0, v59  }
0x45: {  	v3 =	vor.u32 v3, v4  }
0x46: {  	v4 =	vperm.xlane v3, v0;
	_ =	sdelay $0x1  }
0x47: {  	v3 =	vperm.xlane v3, v2;
	v4 =	vadd.s32 v1, v4;
	_ =	sdelay $0x1  }
0x48: {  	v3 =	vadd.s32 v1, v3;
	_ =	sdelay $0x1  }
0x49: {  	s28 =	simm.s32 $0x3800  }
0x4a: {  	[tilespmem:s28], [sflag:$0x1] =	stream.indirect_vreg.gather [hbm4b:s2+s3], $0x80, v4, vm0, $0xb8;
	[tilespmem:$0x18800] =	vst v63  }
0x4b: {  	s6 =	simm.s32 $0x4000  }
0x4c: {  	[tilespmem:s6], [sflag:$0x1] =	stream.indirect_vreg.gather [hbm4b:s2+s3], $0x80, v3, vm0, $0xb8;
	[tilespmem:$0x18800] =	vst v63  }
0x4d: {  	v3 =	vld [tilespmem:$0x80];
	_ =	sdelay $0x4  }
0x4e: {  	v60 =	vshll.u32 v3, $0x1  }
0x4f: {  	v3 =	vand.u32 $0x7, v3;
	v4 =	vand.u32 $0xFFFFFFF0, v60  }
0x50: {  	v3 =	vor.u32 v3, v4  }
0x51: {  	v4 =	vperm.xlane v3, v0;
	_ =	sdelay $0x1  }
0x52: {  	v3 =	vperm.xlane v3, v2;
	v4 =	vadd.s32 v1, v4;
	_ =	sdelay $0x1  }
0x53: {  	v3 =	vadd.s32 v1, v3;
	_ =	sdelay $0x2  }
0x54: {  	[tilespmem:s22], [sflag:$0x2] =	stream.indirect_vreg.gather [hbm4b:s2+s3], $0x80, v4, vm0, $0xb8;
	[tilespmem:$0x18800] =	vst v63  }
0x55: {  	s7 =	simm.s32 $0x5000  }
0x56: {  	[tilespmem:s7], [sflag:$0x2] =	stream.indirect_vreg.gather [hbm4b:s2+s3], $0x80, v3, vm0, $0xb8;
	[tilespmem:$0x18800] =	vst v63  }
0x57: {  	v3 =	vld [tilespmem:$0x90];
	_ =	sdelay $0x4  }
0x58: {  	v61 =	vshll.u32 v3, $0x1  }
0x59: {  	v3 =	vand.u32 $0x7, v3;
	v4 =	vand.u32 $0xFFFFFFF0, v61  }
0x5a: {  	v3 =	vor.u32 v3, v4  }
0x5b: {  	v4 =	vperm.xlane v3, v0;
	_ =	sdelay $0x1  }
0x5c: {  	v3 =	vperm.xlane v3, v2;
	v4 =	vadd.s32 v1, v4;
	_ =	sdelay $0x1  }
0x5d: {  	v3 =	vadd.s32 v1, v3;
	_ =	sdelay $0x1  }
0x5e: {  	s8 =	simm.s32 $0x5800  }
0x5f: {  	[tilespmem:s8], [sflag:$0x2] =	stream.indirect_vreg.gather [hbm4b:s2+s3], $0x80, v4, vm0, $0xb8;
	[tilespmem:$0x18800] =	vst v63  }
0x60: {  	s28 =	simm.s32 $0x6000  }
0x61: {  	[tilespmem:s28], [sflag:$0x2] =	stream.indirect_vreg.gather [hbm4b:s2+s3], $0x80, v3, vm0, $0xb8;
	[tilespmem:$0x18800] =	vst v63  }
0x62: {  	v3 =	vld [tilespmem:$0xA0];
	_ =	sdelay $0x4  }
0x63: {  	v62 =	vshll.u32 v3, $0x1  }
0x64: {  	v3 =	vand.u32 $0x7, v3;
	v4 =	vand.u32 $0xFFFFFFF0, v62  }
0x65: {  	v3 =	vor.u32 v3, v4  }
0x66: {  	v4 =	vperm.xlane v3, v0;
	_ =	sdelay $0x1  }
0x67: {  	v3 =	vperm.xlane v3, v2;
	v4 =	vadd.s32 v1, v4;
	_ =	sdelay $0x1  }
0x68: {  	v3 =	vadd.s32 v1, v3;
	_ =	sdelay $0x1  }
0x69: {  	s6 =	simm.s32 $0x6800  }
0x6a: {  	[tilespmem:s6], [sflag:$0x2] =	stream.indirect_vreg.gather [hbm4b:s2+s3], $0x80, v4, vm0, $0xb8;
	[tilespmem:$0x18800] =	vst v63  }
0x6b: {  	s7 =	simm.s32 $0x7000  }
0x6c: {  	[tilespmem:s7], [sflag:$0x2] =	stream.indirect_vreg.gather [hbm4b:s2+s3], $0x80, v3, vm0, $0xb8;
	[tilespmem:$0x18800] =	vst v63  }
0x6d: {  	v3 =	vld [tilespmem:$0xB0];
	_ =	sdelay $0x4  }
0x6e: {  	v63 =	vshll.u32 v3, $0x1  }
0x6f: {  	v3 =	vand.u32 $0x7, v3;
	v4 =	vand.u32 $0xFFFFFFF0, v63  }
0x70: {  	v3 =	vor.u32 v3, v4  }
0x71: {  	v4 =	vperm.xlane v3, v0;
	_ =	sdelay $0x1  }
0x72: {  	v3 =	vperm.xlane v3, v2;
	v4 =	vadd.s32 v1, v4;
	_ =	sdelay $0x1  }
0x73: {  	v3 =	vadd.s32 v1, v3;
	_ =	sdelay $0x1  }
0x74: {  	s8 =	simm.s32 $0x7800  }
0x75: {  	[tilespmem:s8], [sflag:$0x2] =	stream.indirect_vreg.gather [hbm4b:s2+s3], $0x80, v4, vm0, $0xb8;
	[tilespmem:$0x18800] =	vst v63  }
0x76: {  	s28 =	simm.s32 $0x8000  }
0x77: {  	[tilespmem:s28], [sflag:$0x2] =	stream.indirect_vreg.gather [hbm4b:s2+s3], $0x80, v3, vm0, $0xb8;
	[tilespmem:$0x18800] =	vst v63  }
0x78: {  	v3 =	vld [tilespmem:$0x100];
	_ =	sdelay $0x4  }
0x79: {  	v8 =	vshll.u32 v3, $0x1  }
0x7a: {  	v3 =	vand.u32 $0x7, v3;
	v4 =	vand.u32 $0xFFFFFFF0, v8  }
0x7b: {  	v3 =	vor.u32 v3, v4  }
0x7c: {  	v4 =	vperm.xlane v3, v0;
	_ =	sdelay $0x1  }
0x7d: {  	v3 =	vperm.xlane v3, v2;
	v4 =	vadd.s32 v1, v4;
	_ =	sdelay $0x1  }
0x7e: {  	v3 =	vadd.s32 v1, v3;
	_ =	sdelay $0x2  }
0x7f: {  	[tilespmem:s31], [sflag:$0x3] =	stream.indirect_vreg.gather [hbm4b:s2+s3], $0x80, v4, vm0, $0xb8;
	[tilespmem:$0x18800] =	vst v63  }
0x80: {  	s6 =	simm.s32 $0x9000  }
0x81: {  	[tilespmem:s6], [sflag:$0x3] =	stream.indirect_vreg.gather [hbm4b:s2+s3], $0x80, v3, vm0, $0xb8;
	[tilespmem:$0x18800] =	vst v63  }
0x82: {  	v3 =	vld [tilespmem:$0x110];
	_ =	sdelay $0x4  }
0x83: {  	v9 =	vshll.u32 v3, $0x1  }
0x84: {  	v3 =	vand.u32 $0x7, v3;
	v4 =	vand.u32 $0xFFFFFFF0, v9  }
0x85: {  	v3 =	vor.u32 v3, v4  }
0x86: {  	v4 =	vperm.xlane v3, v0;
	_ =	sdelay $0x1  }
0x87: {  	v3 =	vperm.xlane v3, v2;
	v4 =	vadd.s32 v1, v4;
	_ =	sdelay $0x1  }
0x88: {  	v3 =	vadd.s32 v1, v3;
	_ =	sdelay $0x1  }
0x89: {  	s7 =	simm.s32 $0x9800  }
0x8a: {  	[tilespmem:s7], [sflag:$0x3] =	stream.indirect_vreg.gather [hbm4b:s2+s3], $0x80, v4, vm0, $0xb8;
	[tilespmem:$0x18800] =	vst v63  }
0x8b: {  	s8 =	simm.s32 $0xA000  }
0x8c: {  	[tilespmem:s8], [sflag:$0x3] =	stream.indirect_vreg.gather [hbm4b:s2+s3], $0x80, v3, vm0, $0xb8;
	[tilespmem:$0x18800] =	vst v63  }
0x8d: {  	v3 =	vld [tilespmem:$0x120];
	_ =	sdelay $0x4  }
0x8e: {  	v10 =	vshll.u32 v3, $0x1  }
0x8f: {  	v3 =	vand.u32 $0x7, v3;
	v4 =	vand.u32 $0xFFFFFFF0, v10  }
0x90: {  	v3 =	vor.u32 v3, v4  }
0x91: {  	v4 =	vperm.xlane v3, v0;
	_ =	sdelay $0x1  }
0x92: {  	v3 =	vperm.xlane v3, v2;
	v4 =	vadd.s32 v1, v4;
	_ =	sdelay $0x1  }
0x93: {  	v3 =	vadd.s32 v1, v3;
	_ =	sdelay $0x1  }
0x94: {  	s28 =	simm.s32 $0xA800  }
0x95: {  	[tilespmem:s28], [sflag:$0x3] =	stream.indirect_vreg.gather [hbm4b:s2+s3], $0x80, v4, vm0, $0xb8;
	[tilespmem:$0x18800] =	vst v63  }
0x96: {  	s6 =	simm.s32 $0xB000  }
0x97: {  	[tilespmem:s6], [sflag:$0x3] =	stream.indirect_vreg.gather [hbm4b:s2+s3], $0x80, v3, vm0, $0xb8;
	[tilespmem:$0x18800] =	vst v63  }
0x98: {  	v3 =	vld [tilespmem:$0x130];
	_ =	sdelay $0x4  }
0x99: {  	v11 =	vshll.u32 v3, $0x1  }
0x9a: {  	v3 =	vand.u32 $0x7, v3;
	v4 =	vand.u32 $0xFFFFFFF0, v11  }
0x9b: {  	v3 =	vor.u32 v3, v4  }
0x9c: {  	v4 =	vperm.xlane v3, v0;
	_ =	sdelay $0x1  }
0x9d: {  	v3 =	vperm.xlane v3, v2;
	v4 =	vadd.s32 v1, v4;
	_ =	sdelay $0x1  }
0x9e: {  	v3 =	vadd.s32 v1, v3;
	_ =	sdelay $0x1  }
0x9f: {  	s7 =	simm.s32 $0xB800  }
0xa0: {  	[tilespmem:s7], [sflag:$0x3] =	stream.indirect_vreg.gather [hbm4b:s2+s3], $0x80, v4, vm0, $0xb8;
	[tilespmem:$0x18800] =	vst v63  }
0xa1: {  	s8 =	simm.s32 $0xC000  }
0xa2: {  	[tilespmem:s8], [sflag:$0x3] =	stream.indirect_vreg.gather [hbm4b:s2+s3], $0x80, v3, vm0, $0xb8;
	[tilespmem:$0x18800] =	vst v63  }
0xa3: {  	v3 =	vld [tilespmem:$0x180];
	_ =	sdelay $0x4  }
0xa4: {  	v12 =	vshll.u32 v3, $0x1  }
0xa5: {  	v3 =	vand.u32 $0x7, v3;
	v4 =	vand.u32 $0xFFFFFFF0, v12  }
0xa6: {  	v3 =	vor.u32 v3, v4  }
0xa7: {  	v4 =	vperm.xlane v3, v0;
	_ =	sdelay $0x1  }
0xa8: {  	v3 =	vperm.xlane v3, v2;
	v4 =	vadd.s32 v1, v4;
	_ =	sdelay $0x1  }
0xa9: {  	v3 =	vadd.s32 v1, v3;
	_ =	sdelay $0x2  }
0xaa: {  	[tilespmem:s20], [sflag:$0x4] =	stream.indirect_vreg.gather [hbm4b:s2+s3], $0x80, v4, vm0, $0xb8;
	[tilespmem:$0x18800] =	vst v63  }
0xab: {  	s28 =	simm.s32 $0xD000  }
0xac: {  	[tilespmem:s28], [sflag:$0x4] =	stream.indirect_vreg.gather [hbm4b:s2+s3], $0x80, v3, vm0, $0xb8;
	[tilespmem:$0x18800] =	vst v63  }
0xad: {  	v3 =	vld [tilespmem:$0x190];
	_ =	sdelay $0x4  }
0xae: {  	v13 =	vshll.u32 v3, $0x1  }
0xaf: {  	v3 =	vand.u32 $0x7, v3;
	v4 =	vand.u32 $0xFFFFFFF0, v13  }
0xb0: {  	v3 =	vor.u32 v3, v4  }
0xb1: {  	v4 =	vperm.xlane v3, v0;
	_ =	sdelay $0x1  }
0xb2: {  	v3 =	vperm.xlane v3, v2;
	v4 =	vadd.s32 v1, v4;
	_ =	sdelay $0x1  }
0xb3: {  	v3 =	vadd.s32 v1, v3;
	_ =	sdelay $0x1  }
0xb4: {  	s6 =	simm.s32 $0xD800  }
0xb5: {  	[tilespmem:s6], [sflag:$0x4] =	stream.indirect_vreg.gather [hbm4b:s2+s3], $0x80, v4, vm0, $0xb8;
	[tilespmem:$0x18800] =	vst v63  }
0xb6: {  	s7 =	simm.s32 $0xE000  }
0xb7: {  	[tilespmem:s7], [sflag:$0x4] =	stream.indirect_vreg.gather [hbm4b:s2+s3], $0x80, v3, vm0, $0xb8;
	[tilespmem:$0x18800] =	vst v63  }
0xb8: {  	v3 =	vld [tilespmem:$0x1A0];
	_ =	sdelay $0x4  }
0xb9: {  	v14 =	vshll.u32 v3, $0x1  }
0xba: {  	v3 =	vand.u32 $0x7, v3;
	v4 =	vand.u32 $0xFFFFFFF0, v14  }
0xbb: {  	v3 =	vor.u32 v3, v4  }
0xbc: {  	v4 =	vperm.xlane v3, v0;
	_ =	sdelay $0x1  }
0xbd: {  	v3 =	vperm.xlane v3, v2;
	v4 =	vadd.s32 v1, v4;
	_ =	sdelay $0x1  }
0xbe: {  	v3 =	vadd.s32 v1, v3;
	_ =	sdelay $0x1  }
0xbf: {  	s8 =	simm.s32 $0xE800  }
0xc0: {  	[tilespmem:s8], [sflag:$0x4] =	stream.indirect_vreg.gather [hbm4b:s2+s3], $0x80, v4, vm0, $0xb8;
	[tilespmem:$0x18800] =	vst v63  }
0xc1: {  	s28 =	simm.s32 $0xF000  }
0xc2: {  	[tilespmem:s28], [sflag:$0x4] =	stream.indirect_vreg.gather [hbm4b:s2+s3], $0x80, v3, vm0, $0xb8;
	[tilespmem:$0x18800] =	vst v63  }
0xc3: {  	v3 =	vld [tilespmem:$0x1B0];
	_ =	sdelay $0x4  }
0xc4: {  	v15 =	vshll.u32 v3, $0x1  }
0xc5: {  	v3 =	vand.u32 $0x7, v3;
	v4 =	vand.u32 $0xFFFFFFF0, v15  }
0xc6: {  	v3 =	vor.u32 v3, v4  }
0xc7: {  	v4 =	vperm.xlane v3, v0;
	_ =	sdelay $0x1  }
0xc8: {  	v3 =	vperm.xlane v3, v2;
	v4 =	vadd.s32 v1, v4;
	_ =	sdelay $0x1  }
0xc9: {  	v3 =	vadd.s32 v1, v3;
	_ =	sdelay $0x1  }
0xca: {  	s6 =	simm.s32 $0xF800  }
0xcb: {  	[tilespmem:s6], [sflag:$0x4] =	stream.indirect_vreg.gather [hbm4b:s2+s3], $0x80, v4, vm0, $0xb8;
	[tilespmem:$0x18800] =	vst v63  }
0xcc: {  	s7 =	simm.s32 $0x10000  }
0xcd: {  	[tilespmem:s7], [sflag:$0x4] =	stream.indirect_vreg.gather [hbm4b:s2+s3], $0x80, v3, vm0, $0xb8;
	[tilespmem:$0x18800] =	vst v63  }
0xce: {  	_ =	swait.ge [sflag:s25], $0x4000  }
0xcf: {  	[sflag:s25] =	ssyncset.done $0x0  }
0xd0: {  	s0 =	simm.s32 $0x800;
	s8 =	rddreg [dreg:$0x4];
	[sflag:s25] =	ssyncadd.s32 $0xFFFFC000  }
0xd1: {  	[hbm4b:s8+s3] =	stream.linear.scatter [tilespmem:s0], [sflag:$0x7], $0x4000, $0x38;
	[tilespmem:$0x18800] =	vst v63  }
0xd2: {  	v3 =	vld [tilespmem:$0x200];
	_ =	sdelay $0x4  }
0xd3: {  	v16 =	vshll.u32 v3, $0x1  }
0xd4: {  	v3 =	vand.u32 $0x7, v3;
	v4 =	vand.u32 $0xFFFFFFF0, v16  }
0xd5: {  	v3 =	vor.u32 v3, v4  }
0xd6: {  	v4 =	vperm.xlane v3, v0;
	_ =	sdelay $0x1  }
0xd7: {  	v3 =	vperm.xlane v3, v2;
	v4 =	vadd.s32 v1, v4;
	_ =	sdelay $0x1  }
0xd8: {  	v3 =	vadd.s32 v1, v3;
	_ =	sdelay $0x2  }
0xd9: {  	[tilespmem:s5], [sflag:$0x5] =	stream.indirect_vreg.gather [hbm4b:s2+s3], $0x80, v4, vm0, $0xb8;
	[tilespmem:$0x18800] =	vst v63  }
0xda: {  	_ = 	snop  }
0xdb: {  	[tilespmem:s12], [sflag:$0x5] =	stream.indirect_vreg.gather [hbm4b:s2+s3], $0x80, v3, vm0, $0xb8;
	[tilespmem:$0x18800] =	vst v63  }
0xdc: {  	v3 =	vld [tilespmem:$0x210];
	_ =	sdelay $0x4  }
0xdd: {  	v17 =	vshll.u32 v3, $0x1  }
0xde: {  	v3 =	vand.u32 $0x7, v3;
	v4 =	vand.u32 $0xFFFFFFF0, v17  }
0xdf: {  	v3 =	vor.u32 v3, v4  }
0xe0: {  	v4 =	vperm.xlane v3, v0;
	_ =	sdelay $0x1  }
0xe1: {  	v3 =	vperm.xlane v3, v2;
	v4 =	vadd.s32 v1, v4;
	_ =	sdelay $0x1  }
0xe2: {  	v3 =	vadd.s32 v1, v3;
	_ =	sdelay $0x2  }
0xe3: {  	[tilespmem:s14], [sflag:$0x5] =	stream.indirect_vreg.gather [hbm4b:s2+s3], $0x80, v4, vm0, $0xb8;
	[tilespmem:$0x18800] =	vst v63  }
0xe4: {  	s6 =	simm.s32 $0x12000  }
0xe5: {  	[tilespmem:s6], [sflag:$0x5] =	stream.indirect_vreg.gather [hbm4b:s2+s3], $0x80, v3, vm0, $0xb8;
	[tilespmem:$0x18800] =	vst v63  }
0xe6: {  	v3 =	vld [tilespmem:$0x220];
	_ =	sdelay $0x4  }
0xe7: {  	v18 =	vshll.u32 v3, $0x1  }
0xe8: {  	v3 =	vand.u32 $0x7, v3;
	v4 =	vand.u32 $0xFFFFFFF0, v18  }
0xe9: {  	v3 =	vor.u32 v3, v4  }
0xea: {  	v4 =	vperm.xlane v3, v0;
	_ =	sdelay $0x1  }
0xeb: {  	v3 =	vperm.xlane v3, v2;
	v4 =	vadd.s32 v1, v4;
	_ =	sdelay $0x1  }
0xec: {  	v3 =	vadd.s32 v1, v3;
	_ =	sdelay $0x1  }
0xed: {  	s7 =	simm.s32 $0x12800  }
0xee: {  	[tilespmem:s7], [sflag:$0x5] =	stream.indirect_vreg.gather [hbm4b:s2+s3], $0x80, v4, vm0, $0xb8;
	[tilespmem:$0x18800] =	vst v63  }
0xef: {  	s8 =	simm.s32 $0x13000  }
0xf0: {  	[tilespmem:s8], [sflag:$0x5] =	stream.indirect_vreg.gather [hbm4b:s2+s3], $0x80, v3, vm0, $0xb8;
	[tilespmem:$0x18800] =	vst v63  }
0xf1: {  	v3 =	vld [tilespmem:$0x230];
	_ =	sdelay $0x4  }
0xf2: {  	v19 =	vshll.u32 v3, $0x1  }
0xf3: {  	v3 =	vand.u32 $0x7, v3;
	v4 =	vand.u32 $0xFFFFFFF0, v19  }
0xf4: {  	v3 =	vor.u32 v3, v4  }
0xf5: {  	v4 =	vperm.xlane v3, v0;
	_ =	sdelay $0x1  }
0xf6: {  	v3 =	vperm.xlane v3, v2;
	v4 =	vadd.s32 v1, v4;
	_ =	sdelay $0x1  }
0xf7: {  	v3 =	vadd.s32 v1, v3;
	_ =	sdelay $0x2  }
0xf8: {  	[tilespmem:s9], [sflag:$0x5] =	stream.indirect_vreg.gather [hbm4b:s2+s3], $0x80, v4, vm0, $0xb8;
	[tilespmem:$0x18800] =	vst v63  }
0xf9: {  	_ = 	snop  }
0xfa: {  	[tilespmem:s10], [sflag:$0x5] =	stream.indirect_vreg.gather [hbm4b:s2+s3], $0x80, v3, vm0, $0xb8;
	[tilespmem:$0x18800] =	vst v63  }
0xfb: {  	_ =	swait.ge [sflag:s13], $0x4000  }
0xfc: {  	[sflag:s13] =	ssyncset.done $0x0  }
0xfd: {  	s1 =	rddreg [dreg:$0x5];
	[sflag:s13] =	ssyncadd.s32 $0xFFFFC000  }
0xfe: {  	[hbm4b:s1+s3] =	stream.linear.scatter [tilespmem:s22], [sflag:$0x8], $0x4000, $0x38;
	[tilespmem:$0x18800] =	vst v63  }
0xff: {  	v3 =	vld [tilespmem:$0x280];
	_ =	sdelay $0x4  }
0x100: {  	v20 =	vshll.u32 v3, $0x1  }
0x101: {  	v3 =	vand.u32 $0x7, v3;
	v4 =	vand.u32 $0xFFFFFFF0, v20  }
0x102: {  	v3 =	vor.u32 v3, v4  }
0x103: {  	v4 =	vperm.xlane v3, v0;
	_ =	sdelay $0x1  }
0x104: {  	v3 =	vperm.xlane v3, v2;
	v4 =	vadd.s32 v1, v4;
	_ =	sdelay $0x1  }
0x105: {  	v3 =	vadd.s32 v1, v3;
	_ =	sdelay $0x2  }
0x106: {  	[tilespmem:s15], [sflag:$0x6] =	stream.indirect_vreg.gather [hbm4b:s2+s3], $0x80, v4, vm0, $0xb8;
	[tilespmem:$0x18800] =	vst v63  }
0x107: {  	s28 =	simm.s32 $0x15000  }
0x108: {  	[tilespmem:s28], [sflag:$0x6] =	stream.indirect_vreg.gather [hbm4b:s2+s3], $0x80, v3, vm0, $0xb8;
	[tilespmem:$0x18800] =	vst v63  }
0x109: {  	v3 =	vld [tilespmem:$0x290];
	_ =	sdelay $0x4  }
0x10a: {  	v21 =	vshll.u32 v3, $0x1  }
0x10b: {  	v3 =	vand.u32 $0x7, v3;
	v4 =	vand.u32 $0xFFFFFFF0, v21  }
0x10c: {  	v3 =	vor.u32 v3, v4  }
0x10d: {  	v4 =	vperm.xlane v3, v0;
	_ =	sdelay $0x1  }
0x10e: {  	v3 =	vperm.xlane v3, v2;
	v4 =	vadd.s32 v1, v4;
	_ =	sdelay $0x1  }
0x10f: {  	v3 =	vadd.s32 v1, v3;
	_ =	sdelay $0x2  }
0x110: {  	[tilespmem:s29], [sflag:$0x6] =	stream.indirect_vreg.gather [hbm4b:s2+s3], $0x80, v4, vm0, $0xb8;
	[tilespmem:$0x18800] =	vst v63  }
0x111: {  	_ = 	snop  }
0x112: {  	[tilespmem:s30], [sflag:$0x6] =	stream.indirect_vreg.gather [hbm4b:s2+s3], $0x80, v3, vm0, $0xb8;
	[tilespmem:$0x18800] =	vst v63  }
0x113: {  	v3 =	vld [tilespmem:$0x2A0];
	_ =	sdelay $0x4  }
0x114: {  	v22 =	vshll.u32 v3, $0x1  }
0x115: {  	v3 =	vand.u32 $0x7, v3;
	v4 =	vand.u32 $0xFFFFFFF0, v22  }
0x116: {  	v3 =	vor.u32 v3, v4  }
0x117: {  	v4 =	vperm.xlane v3, v0;
	_ =	sdelay $0x1  }
0x118: {  	v3 =	vperm.xlane v3, v2;
	v4 =	vadd.s32 v1, v4;
	_ =	sdelay $0x1  }
0x119: {  	v3 =	vadd.s32 v1, v3;
	_ =	sdelay $0x1  }
0x11a: {  	s28 =	simm.s32 $0x16800  }
0x11b: {  	[tilespmem:s28], [sflag:$0x6] =	stream.indirect_vreg.gather [hbm4b:s2+s3], $0x80, v4, vm0, $0xb8;
	[tilespmem:$0x18800] =	vst v63  }
0x11c: {  	s28 =	simm.s32 $0x17000  }
0x11d: {  	[tilespmem:s28], [sflag:$0x6] =	stream.indirect_vreg.gather [hbm4b:s2+s3], $0x80, v3, vm0, $0xb8;
	[tilespmem:$0x18800] =	vst v63  }
0x11e: {  	v3 =	vld [tilespmem:$0x2B0];
	_ =	sdelay $0x4  }
0x11f: {  	v23 =	vshll.u32 v3, $0x1  }
0x120: {  	v3 =	vand.u32 $0x7, v3;
	v4 =	vand.u32 $0xFFFFFFF0, v23  }
0x121: {  	v3 =	vor.u32 v3, v4  }
0x122: {  	v4 =	vperm.xlane v3, v0;
	_ =	sdelay $0x1  }
0x123: {  	v3 =	vperm.xlane v3, v2;
	v4 =	vadd.s32 v1, v4;
	_ =	sdelay $0x1  }
0x124: {  	v3 =	vadd.s32 v1, v3;
	_ =	sdelay $0x2  }
0x125: {  	[tilespmem:s26], [sflag:$0x6] =	stream.indirect_vreg.gather [hbm4b:s2+s3], $0x80, v4, vm0, $0xb8;
	[tilespmem:$0x18800] =	vst v63  }
0x126: {  	s28 =	simm.s32 $0x18000  }
0x127: {  	[tilespmem:s28], [sflag:$0x6] =	stream.indirect_vreg.gather [hbm4b:s2+s3], $0x80, v3, vm0, $0xb8;
	[tilespmem:$0x18800] =	vst v63  }
0x128: {  	_ =	swait.ge [sflag:s16], $0x4000  }
0x129: {  	[sflag:s16] =	ssyncset.done $0x0  }
0x12a: {  	s1 =	rddreg [dreg:$0x6];
	[sflag:s16] =	ssyncadd.s32 $0xFFFFC000  }
0x12b: {  	[hbm4b:s1+s3] =	stream.linear.scatter [tilespmem:s31], [sflag:$0x9], $0x4000, $0x38;
	[tilespmem:$0x18800] =	vst v63  }
0x12c: {  	_ =	swait.ge [sflag:s17], $0x4000  }
0x12d: {  	[sflag:s17] =	ssyncset.done $0x0  }
0x12e: {  	[sflag:s17] =	ssyncadd.s32 $0xFFFFC000  }
0x12f: {  	v3 =	vld [tilespmem:$0x300];
	_ =	sdelay $0x4  }
0x130: {  	v24 =	vshll.u32 v3, $0x1  }
0x131: {  	v3 =	vand.u32 $0x7, v3;
	v4 =	vand.u32 $0xFFFFFFF0, v24  }
0x132: {  	v3 =	vor.u32 v3, v4  }
0x133: {  	v4 =	vperm.xlane v3, v0;
	_ =	sdelay $0x1  }
0x134: {  	v3 =	vperm.xlane v3, v2;
	v4 =	vadd.s32 v1, v4;
	_ =	sdelay $0x1  }
0x135: {  	v3 =	vadd.s32 v1, v3;
	_ =	sdelay $0x1  }
0x136: {  	s0 =	simm.s32 $0x800  }
0x137: {  	[tilespmem:s0], [sflag:$0x1] =	stream.indirect_vreg.gather [hbm4b:s2+s3], $0x80, v4, vm0, $0xb8;
	[tilespmem:$0x18800] =	vst v63  }
0x138: {  	s11 =	simm.s32 $0x1000  }
0x139: {  	[tilespmem:s11], [sflag:$0x1] =	stream.indirect_vreg.gather [hbm4b:s2+s3], $0x80, v3, vm0, $0xb8;
	[tilespmem:$0x18800] =	vst v63  }
0x13a: {  	v3 =	vld [tilespmem:$0x310];
	_ =	sdelay $0x4  }
0x13b: {  	v25 =	vshll.u32 v3, $0x1  }
0x13c: {  	v3 =	vand.u32 $0x7, v3;
	v4 =	vand.u32 $0xFFFFFFF0, v25  }
0x13d: {  	v3 =	vor.u32 v3, v4  }
0x13e: {  	v4 =	vperm.xlane v3, v0;
	_ =	sdelay $0x1  }
0x13f: {  	v3 =	vperm.xlane v3, v2;
	v4 =	vadd.s32 v1, v4;
	_ =	sdelay $0x1  }
0x140: {  	v3 =	vadd.s32 v1, v3;
	_ =	sdelay $0x1  }
0x141: {  	s1 =	simm.s32 $0x1800  }
0x142: {  	[tilespmem:s1], [sflag:$0x1] =	stream.indirect_vreg.gather [hbm4b:s2+s3], $0x80, v4, vm0, $0xb8;
	[tilespmem:$0x18800] =	vst v63  }
0x143: {  	s11 =	simm.s32 $0x2000  }
0x144: {  	[tilespmem:s11], [sflag:$0x1] =	stream.indirect_vreg.gather [hbm4b:s2+s3], $0x80, v3, vm0, $0xb8;
	[tilespmem:$0x18800] =	vst v63  }
0x145: {  	v3 =	vld [tilespmem:$0x320];
	_ =	sdelay $0x4  }
0x146: {  	v26 =	vshll.u32 v3, $0x1  }
0x147: {  	v3 =	vand.u32 $0x7, v3;
	v4 =	vand.u32 $0xFFFFFFF0, v26  }
0x148: {  	v3 =	vor.u32 v3, v4  }
0x149: {  	v4 =	vperm.xlane v3, v0;
	_ =	sdelay $0x1  }
0x14a: {  	v3 =	vperm.xlane v3, v2;
	v4 =	vadd.s32 v1, v4;
	_ =	sdelay $0x1  }
0x14b: {  	v3 =	vadd.s32 v1, v3;
	_ =	sdelay $0x1  }
0x14c: {  	s28 =	simm.s32 $0x2800  }
0x14d: {  	[tilespmem:s28], [sflag:$0x1] =	stream.indirect_vreg.gather [hbm4b:s2+s3], $0x80, v4, vm0, $0xb8;
	[tilespmem:$0x18800] =	vst v63  }
0x14e: {  	s1 =	simm.s32 $0x3000  }
0x14f: {  	[tilespmem:s1], [sflag:$0x1] =	stream.indirect_vreg.gather [hbm4b:s2+s3], $0x80, v3, vm0, $0xb8;
	[tilespmem:$0x18800] =	vst v63  }
0x150: {  	v3 =	vld [tilespmem:$0x330];
	_ =	sdelay $0x4  }
0x151: {  	v27 =	vshll.u32 v3, $0x1  }
0x152: {  	v3 =	vand.u32 $0x7, v3;
	v4 =	vand.u32 $0xFFFFFFF0, v27  }
0x153: {  	v3 =	vor.u32 v3, v4  }
0x154: {  	v4 =	vperm.xlane v3, v0;
	_ =	sdelay $0x1  }
0x155: {  	v3 =	vperm.xlane v3, v2;
	v4 =	vadd.s32 v1, v4;
	_ =	sdelay $0x1  }
0x156: {  	v3 =	vadd.s32 v1, v3;
	_ =	sdelay $0x1  }
0x157: {  	s11 =	simm.s32 $0x3800  }
0x158: {  	[tilespmem:s11], [sflag:$0x1] =	stream.indirect_vreg.gather [hbm4b:s2+s3], $0x80, v4, vm0, $0xb8;
	[tilespmem:$0x18800] =	vst v63  }
0x159: {  	s28 =	simm.s32 $0x4000  }
0x15a: {  	[tilespmem:s28], [sflag:$0x1] =	stream.indirect_vreg.gather [hbm4b:s2+s3], $0x80, v3, vm0, $0xb8;
	[tilespmem:$0x18800] =	vst v63  }
0x15b: {  	_ =	swait.ge [sflag:s18], $0x4000  }
0x15c: {  	[sflag:s18] =	ssyncset.done $0x0  }
0x15d: {  	s0 =	rddreg [dreg:$0x7];
	[sflag:s18] =	ssyncadd.s32 $0xFFFFC000  }
0x15e: {  	[hbm4b:s0+s3] =	stream.linear.scatter [tilespmem:s20], [sflag:$0xA], $0x4000, $0x38;
	[tilespmem:$0x18800] =	vst v63  }
0x15f: {  	_ =	swait.ge [sflag:s19], $0x4000  }
0x160: {  	[sflag:s19] =	ssyncset.done $0x0  }
0x161: {  	[sflag:s19] =	ssyncadd.s32 $0xFFFFC000  }
0x162: {  	v3 =	vld [tilespmem:$0x380];
	_ =	sdelay $0x4  }
0x163: {  	v28 =	vshll.u32 v3, $0x1  }
0x164: {  	v3 =	vand.u32 $0x7, v3;
	v4 =	vand.u32 $0xFFFFFFF0, v28  }
0x165: {  	v3 =	vor.u32 v3, v4  }
0x166: {  	v4 =	vperm.xlane v3, v0;
	_ =	sdelay $0x1  }
0x167: {  	v3 =	vperm.xlane v3, v2;
	v4 =	vadd.s32 v1, v4;
	_ =	sdelay $0x1  }
0x168: {  	v3 =	vadd.s32 v1, v3;
	_ =	sdelay $0x2  }
0x169: {  	[tilespmem:s22], [sflag:$0x2] =	stream.indirect_vreg.gather [hbm4b:s2+s3], $0x80, v4, vm0, $0xb8;
	[tilespmem:$0x18800] =	vst v63  }
0x16a: {  	s1 =	simm.s32 $0x5000  }
0x16b: {  	[tilespmem:s1], [sflag:$0x2] =	stream.indirect_vreg.gather [hbm4b:s2+s3], $0x80, v3, vm0, $0xb8;
	[tilespmem:$0x18800] =	vst v63  }
0x16c: {  	v3 =	vld [tilespmem:$0x390];
	_ =	sdelay $0x4  }
0x16d: {  	v29 =	vshll.u32 v3, $0x1  }
0x16e: {  	v3 =	vand.u32 $0x7, v3;
	v4 =	vand.u32 $0xFFFFFFF0, v29  }
0x16f: {  	v3 =	vor.u32 v3, v4  }
0x170: {  	v4 =	vperm.xlane v3, v0;
	_ =	sdelay $0x1  }
0x171: {  	v3 =	vperm.xlane v3, v2;
	v4 =	vadd.s32 v1, v4;
	_ =	sdelay $0x1  }
0x172: {  	v3 =	vadd.s32 v1, v3;
	_ =	sdelay $0x1  }
0x173: {  	s11 =	simm.s32 $0x5800  }
0x174: {  	[tilespmem:s11], [sflag:$0x2] =	stream.indirect_vreg.gather [hbm4b:s2+s3], $0x80, v4, vm0, $0xb8;
	[tilespmem:$0x18800] =	vst v63  }
0x175: {  	s28 =	simm.s32 $0x6000  }
0x176: {  	[tilespmem:s28], [sflag:$0x2] =	stream.indirect_vreg.gather [hbm4b:s2+s3], $0x80, v3, vm0, $0xb8;
	[tilespmem:$0x18800] =	vst v63  }
0x177: {  	v3 =	vld [tilespmem:$0x3A0];
	_ =	sdelay $0x4  }
0x178: {  	v30 =	vshll.u32 v3, $0x1  }
0x179: {  	v3 =	vand.u32 $0x7, v3;
	v4 =	vand.u32 $0xFFFFFFF0, v30  }
0x17a: {  	v3 =	vor.u32 v3, v4  }
0x17b: {  	v4 =	vperm.xlane v3, v0;
	_ =	sdelay $0x1  }
0x17c: {  	v3 =	vperm.xlane v3, v2;
	v4 =	vadd.s32 v1, v4;
	_ =	sdelay $0x1  }
0x17d: {  	v3 =	vadd.s32 v1, v3;
	_ =	sdelay $0x1  }
0x17e: {  	s1 =	simm.s32 $0x6800  }
0x17f: {  	[tilespmem:s1], [sflag:$0x2] =	stream.indirect_vreg.gather [hbm4b:s2+s3], $0x80, v4, vm0, $0xb8;
	[tilespmem:$0x18800] =	vst v63  }
0x180: {  	s11 =	simm.s32 $0x7000  }
0x181: {  	[tilespmem:s11], [sflag:$0x2] =	stream.indirect_vreg.gather [hbm4b:s2+s3], $0x80, v3, vm0, $0xb8;
	[tilespmem:$0x18800] =	vst v63  }
0x182: {  	v3 =	vld [tilespmem:$0x3B0];
	_ =	sdelay $0x4  }
0x183: {  	v31 =	vshll.u32 v3, $0x1  }
0x184: {  	v3 =	vand.u32 $0x7, v3;
	v4 =	vand.u32 $0xFFFFFFF0, v31  }
0x185: {  	v3 =	vor.u32 v3, v4  }
0x186: {  	v4 =	vperm.xlane v3, v0;
	_ =	sdelay $0x1  }
0x187: {  	v3 =	vperm.xlane v3, v2;
	v4 =	vadd.s32 v1, v4;
	_ =	sdelay $0x1  }
0x188: {  	v3 =	vadd.s32 v1, v3;
	_ =	sdelay $0x1  }
0x189: {  	s28 =	simm.s32 $0x7800  }
0x18a: {  	[tilespmem:s28], [sflag:$0x2] =	stream.indirect_vreg.gather [hbm4b:s2+s3], $0x80, v4, vm0, $0xb8;
	[tilespmem:$0x18800] =	vst v63  }
0x18b: {  	s0 =	simm.s32 $0x5;
	s1 =	simm.s32 $0x8000  }
0x18c: {  	[tilespmem:s1], [sflag:$0x2] =	stream.indirect_vreg.gather [hbm4b:s2+s3], $0x80, v3, vm0, $0xb8;
	[tilespmem:$0x18800] =	vst v63  }
0x18d: {  	_ =	swait.ge [sflag:s0], $0x4000  }
0x18e: {  	[sflag:s0] =	ssyncset.done $0x0  }
0x18f: {  	s11 =	rddreg [dreg:$0x8];
	[sflag:s0] =	ssyncadd.s32 $0xFFFFC000  }
0x190: {  	[hbm4b:s11+s3] =	stream.linear.scatter [tilespmem:s5], [sflag:$0xB], $0x4000, $0x38;
	[tilespmem:$0x18800] =	vst v63  }
0x191: {  	_ =	swait.ge [sflag:s21], $0x4000  }
0x192: {  	[sflag:s21] =	ssyncset.done $0x0  }
0x193: {  	[sflag:s21] =	ssyncadd.s32 $0xFFFFC000  }
0x194: {  	v3 =	vld [tilespmem:$0x400];
	_ =	sdelay $0x4  }
0x195: {  	v32 =	vshll.u32 v3, $0x1  }
0x196: {  	v3 =	vand.u32 $0x7, v3;
	v4 =	vand.u32 $0xFFFFFFF0, v32  }
0x197: {  	v3 =	vor.u32 v3, v4  }
0x198: {  	v4 =	vperm.xlane v3, v0;
	_ =	sdelay $0x1  }
0x199: {  	v3 =	vperm.xlane v3, v2;
	v4 =	vadd.s32 v1, v4;
	_ =	sdelay $0x1  }
0x19a: {  	v3 =	vadd.s32 v1, v3;
	_ =	sdelay $0x2  }
0x19b: {  	[tilespmem:s31], [sflag:$0x3] =	stream.indirect_vreg.gather [hbm4b:s2+s3], $0x80, v4, vm0, $0xb8;
	[tilespmem:$0x18800] =	vst v63  }
0x19c: {  	s28 =	simm.s32 $0x9000  }
0x19d: {  	[tilespmem:s28], [sflag:$0x3] =	stream.indirect_vreg.gather [hbm4b:s2+s3], $0x80, v3, vm0, $0xb8;
	[tilespmem:$0x18800] =	vst v63  }
0x19e: {  	v3 =	vld [tilespmem:$0x410];
	_ =	sdelay $0x4  }
0x19f: {  	v33 =	vshll.u32 v3, $0x1  }
0x1a0: {  	v3 =	vand.u32 $0x7, v3;
	v4 =	vand.u32 $0xFFFFFFF0, v33  }
0x1a1: {  	v3 =	vor.u32 v3, v4  }
0x1a2: {  	v4 =	vperm.xlane v3, v0;
	_ =	sdelay $0x1  }
0x1a3: {  	v3 =	vperm.xlane v3, v2;
	v4 =	vadd.s32 v1, v4;
	_ =	sdelay $0x1  }
0x1a4: {  	v3 =	vadd.s32 v1, v3;
	_ =	sdelay $0x1  }
0x1a5: {  	s11 =	simm.s32 $0x9800  }
0x1a6: {  	[tilespmem:s11], [sflag:$0x3] =	stream.indirect_vreg.gather [hbm4b:s2+s3], $0x80, v4, vm0, $0xb8;
	[tilespmem:$0x18800] =	vst v63  }
0x1a7: {  	s28 =	simm.s32 $0xA000  }
0x1a8: {  	[tilespmem:s28], [sflag:$0x3] =	stream.indirect_vreg.gather [hbm4b:s2+s3], $0x80, v3, vm0, $0xb8;
	[tilespmem:$0x18800] =	vst v63  }
0x1a9: {  	v3 =	vld [tilespmem:$0x420];
	_ =	sdelay $0x4  }
0x1aa: {  	v34 =	vshll.u32 v3, $0x1  }
0x1ab: {  	v3 =	vand.u32 $0x7, v3;
	v4 =	vand.u32 $0xFFFFFFF0, v34  }
0x1ac: {  	v3 =	vor.u32 v3, v4  }
0x1ad: {  	v4 =	vperm.xlane v3, v0;
	_ =	sdelay $0x1  }
0x1ae: {  	v3 =	vperm.xlane v3, v2;
	v4 =	vadd.s32 v1, v4;
	_ =	sdelay $0x1  }
0x1af: {  	v3 =	vadd.s32 v1, v3;
	_ =	sdelay $0x1  }
0x1b0: {  	s11 =	simm.s32 $0xA800  }
0x1b1: {  	[tilespmem:s11], [sflag:$0x3] =	stream.indirect_vreg.gather [hbm4b:s2+s3], $0x80, v4, vm0, $0xb8;
	[tilespmem:$0x18800] =	vst v63  }
0x1b2: {  	s28 =	simm.s32 $0xB000  }
0x1b3: {  	[tilespmem:s28], [sflag:$0x3] =	stream.indirect_vreg.gather [hbm4b:s2+s3], $0x80, v3, vm0, $0xb8;
	[tilespmem:$0x18800] =	vst v63  }
0x1b4: {  	v3 =	vld [tilespmem:$0x430];
	_ =	sdelay $0x4  }
0x1b5: {  	v35 =	vshll.u32 v3, $0x1  }
0x1b6: {  	v3 =	vand.u32 $0x7, v3;
	v4 =	vand.u32 $0xFFFFFFF0, v35  }
0x1b7: {  	v3 =	vor.u32 v3, v4  }
0x1b8: {  	v4 =	vperm.xlane v3, v0;
	_ =	sdelay $0x1  }
0x1b9: {  	v3 =	vperm.xlane v3, v2;
	v4 =	vadd.s32 v1, v4;
	_ =	sdelay $0x1  }
0x1ba: {  	v3 =	vadd.s32 v1, v3;
	_ =	sdelay $0x1  }
0x1bb: {  	s11 =	simm.s32 $0xB800  }
0x1bc: {  	[tilespmem:s11], [sflag:$0x3] =	stream.indirect_vreg.gather [hbm4b:s2+s3], $0x80, v4, vm0, $0xb8;
	[tilespmem:$0x18800] =	vst v63  }
0x1bd: {  	s1 =	simm.s32 $0x6;
	s28 =	simm.s32 $0xC000  }
0x1be: {  	[tilespmem:s28], [sflag:$0x3] =	stream.indirect_vreg.gather [hbm4b:s2+s3], $0x80, v3, vm0, $0xb8;
	[tilespmem:$0x18800] =	vst v63  }
0x1bf: {  	_ =	swait.ge [sflag:s1], $0x4000  }
0x1c0: {  	[sflag:s1] =	ssyncset.done $0x0  }
0x1c1: {  	s11 =	rddreg [dreg:$0x9];
	[sflag:s1] =	ssyncadd.s32 $0xFFFFC000  }
0x1c2: {  	[hbm4b:s11+s3] =	stream.linear.scatter [tilespmem:s15], [sflag:$0xC], $0x4000, $0x38;
	[tilespmem:$0x18800] =	vst v63  }
0x1c3: {  	_ =	swait.ge [sflag:s24], $0x4000  }
0x1c4: {  	[sflag:s24] =	ssyncset.done $0x0  }
0x1c5: {  	[sflag:s24] =	ssyncadd.s32 $0xFFFFC000  }
0x1c6: {  	v3 =	vld [tilespmem:$0x480];
	_ =	sdelay $0x4  }
0x1c7: {  	v36 =	vshll.u32 v3, $0x1  }
0x1c8: {  	v3 =	vand.u32 $0x7, v3;
	v4 =	vand.u32 $0xFFFFFFF0, v36  }
0x1c9: {  	v3 =	vor.u32 v3, v4  }
0x1ca: {  	v4 =	vperm.xlane v3, v0;
	_ =	sdelay $0x1  }
0x1cb: {  	v3 =	vperm.xlane v3, v2;
	v4 =	vadd.s32 v1, v4;
	_ =	sdelay $0x1  }
0x1cc: {  	v3 =	vadd.s32 v1, v3;
	_ =	sdelay $0x2  }
0x1cd: {  	[tilespmem:s20], [sflag:$0x4] =	stream.indirect_vreg.gather [hbm4b:s2+s3], $0x80, v4, vm0, $0xb8;
	[tilespmem:$0x18800] =	vst v63  }
0x1ce: {  	s28 =	simm.s32 $0xD000  }
0x1cf: {  	[tilespmem:s28], [sflag:$0x4] =	stream.indirect_vreg.gather [hbm4b:s2+s3], $0x80, v3, vm0, $0xb8;
	[tilespmem:$0x18800] =	vst v63  }
0x1d0: {  	v3 =	vld [tilespmem:$0x490];
	_ =	sdelay $0x4  }
0x1d1: {  	v37 =	vshll.u32 v3, $0x1  }
0x1d2: {  	v3 =	vand.u32 $0x7, v3;
	v4 =	vand.u32 $0xFFFFFFF0, v37  }
0x1d3: {  	v3 =	vor.u32 v3, v4  }
0x1d4: {  	v4 =	vperm.xlane v3, v0;
	_ =	sdelay $0x1  }
0x1d5: {  	v3 =	vperm.xlane v3, v2;
	v4 =	vadd.s32 v1, v4;
	_ =	sdelay $0x1  }
0x1d6: {  	v3 =	vadd.s32 v1, v3;
	_ =	sdelay $0x1  }
0x1d7: {  	s28 =	simm.s32 $0xD800  }
0x1d8: {  	[tilespmem:s28], [sflag:$0x4] =	stream.indirect_vreg.gather [hbm4b:s2+s3], $0x80, v4, vm0, $0xb8;
	[tilespmem:$0x18800] =	vst v63  }
0x1d9: {  	s28 =	simm.s32 $0xE000  }
0x1da: {  	[tilespmem:s28], [sflag:$0x4] =	stream.indirect_vreg.gather [hbm4b:s2+s3], $0x80, v3, vm0, $0xb8;
	[tilespmem:$0x18800] =	vst v63  }
0x1db: {  	v3 =	vld [tilespmem:$0x4A0];
	_ =	sdelay $0x4  }
0x1dc: {  	v38 =	vshll.u32 v3, $0x1  }
0x1dd: {  	v3 =	vand.u32 $0x7, v3;
	v4 =	vand.u32 $0xFFFFFFF0, v38  }
0x1de: {  	v3 =	vor.u32 v3, v4  }
0x1df: {  	v4 =	vperm.xlane v3, v0;
	_ =	sdelay $0x1  }
0x1e0: {  	v3 =	vperm.xlane v3, v2;
	v4 =	vadd.s32 v1, v4;
	_ =	sdelay $0x1  }
0x1e1: {  	v3 =	vadd.s32 v1, v3;
	_ =	sdelay $0x1  }
0x1e2: {  	s28 =	simm.s32 $0xE800  }
0x1e3: {  	[tilespmem:s28], [sflag:$0x4] =	stream.indirect_vreg.gather [hbm4b:s2+s3], $0x80, v4, vm0, $0xb8;
	[tilespmem:$0x18800] =	vst v63  }
0x1e4: {  	s28 =	simm.s32 $0xF000  }
0x1e5: {  	[tilespmem:s28], [sflag:$0x4] =	stream.indirect_vreg.gather [hbm4b:s2+s3], $0x80, v3, vm0, $0xb8;
	[tilespmem:$0x18800] =	vst v63  }
0x1e6: {  	v3 =	vld [tilespmem:$0x4B0];
	_ =	sdelay $0x4  }
0x1e7: {  	v39 =	vshll.u32 v3, $0x1  }
0x1e8: {  	v3 =	vand.u32 $0x7, v3;
	v4 =	vand.u32 $0xFFFFFFF0, v39  }
0x1e9: {  	v3 =	vor.u32 v3, v4  }
0x1ea: {  	v4 =	vperm.xlane v3, v0;
	_ =	sdelay $0x1  }
0x1eb: {  	v3 =	vperm.xlane v3, v2;
	v4 =	vadd.s32 v1, v4;
	_ =	sdelay $0x1  }
0x1ec: {  	v3 =	vadd.s32 v1, v3;
	_ =	sdelay $0x1  }
0x1ed: {  	s28 =	simm.s32 $0xF800  }
0x1ee: {  	[tilespmem:s28], [sflag:$0x4] =	stream.indirect_vreg.gather [hbm4b:s2+s3], $0x80, v4, vm0, $0xb8;
	[tilespmem:$0x18800] =	vst v63  }
0x1ef: {  	s28 =	simm.s32 $0x10000  }
0x1f0: {  	[tilespmem:s28], [sflag:$0x4] =	stream.indirect_vreg.gather [hbm4b:s2+s3], $0x80, v3, vm0, $0xb8;
	[tilespmem:$0x18800] =	vst v63  }
0x1f1: {  	_ =	swait.ge [sflag:s25], $0x4000  }
0x1f2: {  	[sflag:s25] =	ssyncset.done $0x0  }
0x1f3: {  	s11 =	rddreg [dreg:$0xa];
	[sflag:s25] =	ssyncadd.s32 $0xFFFFC000  }
0x1f4: {  	[hbm4b:s11+s3] =	stream.linear.scatter [tilespmem:s23], [sflag:$0x7], $0x4000, $0x38;
	[tilespmem:$0x18800] =	vst v63  }
0x1f5: {  	s11 =	simm.s32 $0xB  }
0x1f6: {  	_ =	swait.ge [sflag:s11], $0x4000  }
0x1f7: {  	[sflag:s11] =	ssyncset.done $0x0  }
0x1f8: {  	[sflag:s11] =	ssyncadd.s32 $0xFFFFC000  }
0x1f9: {  	v3 =	vld [tilespmem:$0x500];
	_ =	sdelay $0x4  }
0x1fa: {  	v40 =	vshll.u32 v3, $0x1  }
0x1fb: {  	v3 =	vand.u32 $0x7, v3;
	v4 =	vand.u32 $0xFFFFFFF0, v40  }
0x1fc: {  	v3 =	vor.u32 v3, v4  }
0x1fd: {  	v4 =	vperm.xlane v3, v0;
	_ =	sdelay $0x1  }
0x1fe: {  	v3 =	vperm.xlane v3, v2;
	v4 =	vadd.s32 v1, v4;
	_ =	sdelay $0x1  }
0x1ff: {  	v3 =	vadd.s32 v1, v3;
	_ =	sdelay $0x2  }
0x200: {  	[tilespmem:s5], [sflag:$0x5] =	stream.indirect_vreg.gather [hbm4b:s2+s3], $0x80, v4, vm0, $0xb8;
	[tilespmem:$0x18800] =	vst v63  }
0x201: {  	_ = 	snop  }
0x202: {  	[tilespmem:s12], [sflag:$0x5] =	stream.indirect_vreg.gather [hbm4b:s2+s3], $0x80, v3, vm0, $0xb8;
	[tilespmem:$0x18800] =	vst v63  }
0x203: {  	v3 =	vld [tilespmem:$0x510];
	_ =	sdelay $0x4  }
0x204: {  	v41 =	vshll.u32 v3, $0x1  }
0x205: {  	v3 =	vand.u32 $0x7, v3;
	v4 =	vand.u32 $0xFFFFFFF0, v41  }
0x206: {  	v3 =	vor.u32 v3, v4  }
0x207: {  	v4 =	vperm.xlane v3, v0;
	_ =	sdelay $0x1  }
0x208: {  	v3 =	vperm.xlane v3, v2;
	v4 =	vadd.s32 v1, v4;
	_ =	sdelay $0x1  }
0x209: {  	v3 =	vadd.s32 v1, v3;
	_ =	sdelay $0x2  }
0x20a: {  	[tilespmem:s14], [sflag:$0x5] =	stream.indirect_vreg.gather [hbm4b:s2+s3], $0x80, v4, vm0, $0xb8;
	[tilespmem:$0x18800] =	vst v63  }
0x20b: {  	_ = 	snop  }
0x20c: {  	[tilespmem:s6], [sflag:$0x5] =	stream.indirect_vreg.gather [hbm4b:s2+s3], $0x80, v3, vm0, $0xb8;
	[tilespmem:$0x18800] =	vst v63  }
0x20d: {  	v3 =	vld [tilespmem:$0x520];
	_ =	sdelay $0x4  }
0x20e: {  	v42 =	vshll.u32 v3, $0x1  }
0x20f: {  	v3 =	vand.u32 $0x7, v3;
	v4 =	vand.u32 $0xFFFFFFF0, v42  }
0x210: {  	v3 =	vor.u32 v3, v4  }
0x211: {  	v4 =	vperm.xlane v3, v0;
	_ =	sdelay $0x1  }
0x212: {  	v3 =	vperm.xlane v3, v2;
	v4 =	vadd.s32 v1, v4;
	_ =	sdelay $0x1  }
0x213: {  	v3 =	vadd.s32 v1, v3;
	_ =	sdelay $0x2  }
0x214: {  	[tilespmem:s7], [sflag:$0x5] =	stream.indirect_vreg.gather [hbm4b:s2+s3], $0x80, v4, vm0, $0xb8;
	[tilespmem:$0x18800] =	vst v63  }
0x215: {  	_ = 	snop  }
0x216: {  	[tilespmem:s8], [sflag:$0x5] =	stream.indirect_vreg.gather [hbm4b:s2+s3], $0x80, v3, vm0, $0xb8;
	[tilespmem:$0x18800] =	vst v63  }
0x217: {  	v3 =	vld [tilespmem:$0x530];
	_ =	sdelay $0x4  }
0x218: {  	v43 =	vshll.u32 v3, $0x1  }
0x219: {  	v3 =	vand.u32 $0x7, v3;
	v4 =	vand.u32 $0xFFFFFFF0, v43  }
0x21a: {  	v3 =	vor.u32 v3, v4  }
0x21b: {  	v4 =	vperm.xlane v3, v0;
	_ =	sdelay $0x1  }
0x21c: {  	v3 =	vperm.xlane v3, v2;
	v4 =	vadd.s32 v1, v4;
	_ =	sdelay $0x1  }
0x21d: {  	v3 =	vadd.s32 v1, v3;
	_ =	sdelay $0x2  }
0x21e: {  	[tilespmem:s9], [sflag:$0x5] =	stream.indirect_vreg.gather [hbm4b:s2+s3], $0x80, v4, vm0, $0xb8;
	[tilespmem:$0x18800] =	vst v63  }
0x21f: {  	_ = 	snop  }
0x220: {  	[tilespmem:s10], [sflag:$0x5] =	stream.indirect_vreg.gather [hbm4b:s2+s3], $0x80, v3, vm0, $0xb8;
	[tilespmem:$0x18800] =	vst v63  }
0x221: {  	_ =	swait.ge [sflag:s13], $0x4000  }
0x222: {  	[sflag:s13] =	ssyncset.done $0x0  }
0x223: {  	s6 =	simm.s32 $0xC;
	s7 =	rddreg [dreg:$0xb];
	[sflag:s13] =	ssyncadd.s32 $0xFFFFC000  }
0x224: {  	[hbm4b:s7+s3] =	stream.linear.scatter [tilespmem:s22], [sflag:$0x8], $0x4000, $0x38;
	[tilespmem:$0x18800] =	vst v63  }
0x225: {  	_ =	swait.ge [sflag:s6], $0x4000  }
0x226: {  	[sflag:s6] =	ssyncset.done $0x0  }
0x227: {  	[sflag:s6] =	ssyncadd.s32 $0xFFFFC000  }
0x228: {  	v3 =	vld [tilespmem:$0x580];
	_ =	sdelay $0x4  }
0x229: {  	v44 =	vshll.u32 v3, $0x1  }
0x22a: {  	v3 =	vand.u32 $0x7, v3;
	v4 =	vand.u32 $0xFFFFFFF0, v44  }
0x22b: {  	v3 =	vor.u32 v3, v4  }
0x22c: {  	v4 =	vperm.xlane v3, v0;
	_ =	sdelay $0x1  }
0x22d: {  	v3 =	vperm.xlane v3, v2;
	v4 =	vadd.s32 v1, v4;
	_ =	sdelay $0x1  }
0x22e: {  	v3 =	vadd.s32 v1, v3;
	_ =	sdelay $0x2  }
0x22f: {  	[tilespmem:s15], [sflag:$0x6] =	stream.indirect_vreg.gather [hbm4b:s2+s3], $0x80, v4, vm0, $0xb8;
	[tilespmem:$0x18800] =	vst v63  }
0x230: {  	s8 =	simm.s32 $0x15000  }
0x231: {  	[tilespmem:s8], [sflag:$0x6] =	stream.indirect_vreg.gather [hbm4b:s2+s3], $0x80, v3, vm0, $0xb8;
	[tilespmem:$0x18800] =	vst v63  }
0x232: {  	v3 =	vld [tilespmem:$0x590];
	_ =	sdelay $0x4  }
0x233: {  	v45 =	vshll.u32 v3, $0x1  }
0x234: {  	v3 =	vand.u32 $0x7, v3;
	v4 =	vand.u32 $0xFFFFFFF0, v45  }
0x235: {  	v3 =	vor.u32 v3, v4  }
0x236: {  	v4 =	vperm.xlane v3, v0;
	_ =	sdelay $0x1  }
0x237: {  	v3 =	vperm.xlane v3, v2;
	v4 =	vadd.s32 v1, v4;
	_ =	sdelay $0x1  }
0x238: {  	v3 =	vadd.s32 v1, v3;
	_ =	sdelay $0x2  }
0x239: {  	[tilespmem:s29], [sflag:$0x6] =	stream.indirect_vreg.gather [hbm4b:s2+s3], $0x80, v4, vm0, $0xb8;
	[tilespmem:$0x18800] =	vst v63  }
0x23a: {  	_ = 	snop  }
0x23b: {  	[tilespmem:s30], [sflag:$0x6] =	stream.indirect_vreg.gather [hbm4b:s2+s3], $0x80, v3, vm0, $0xb8;
	[tilespmem:$0x18800] =	vst v63  }
0x23c: {  	v3 =	vld [tilespmem:$0x5A0];
	_ =	sdelay $0x4  }
0x23d: {  	v46 =	vshll.u32 v3, $0x1  }
0x23e: {  	v3 =	vand.u32 $0x7, v3;
	v4 =	vand.u32 $0xFFFFFFF0, v46  }
0x23f: {  	v3 =	vor.u32 v3, v4  }
0x240: {  	v4 =	vperm.xlane v3, v0;
	_ =	sdelay $0x1  }
0x241: {  	v3 =	vperm.xlane v3, v2;
	v4 =	vadd.s32 v1, v4;
	_ =	sdelay $0x1  }
0x242: {  	v3 =	vadd.s32 v1, v3;
	_ =	sdelay $0x1  }
0x243: {  	s28 =	simm.s32 $0x16800  }
0x244: {  	[tilespmem:s28], [sflag:$0x6] =	stream.indirect_vreg.gather [hbm4b:s2+s3], $0x80, v4, vm0, $0xb8;
	[tilespmem:$0x18800] =	vst v63  }
0x245: {  	s8 =	simm.s32 $0x17000  }
0x246: {  	[tilespmem:s8], [sflag:$0x6] =	stream.indirect_vreg.gather [hbm4b:s2+s3], $0x80, v3, vm0, $0xb8;
	[tilespmem:$0x18800] =	vst v63  }
0x247: {  	v3 =	vld [tilespmem:$0x5B0];
	_ =	sdelay $0x4  }
0x248: {  	v47 =	vshll.u32 v3, $0x1  }
0x249: {  	v3 =	vand.u32 $0x7, v3;
	v4 =	vand.u32 $0xFFFFFFF0, v47  }
0x24a: {  	v3 =	vor.u32 v3, v4  }
0x24b: {  	v4 =	vperm.xlane v3, v0;
	_ =	sdelay $0x1  }
0x24c: {  	v3 =	vperm.xlane v3, v2;
	v4 =	vadd.s32 v1, v4;
	_ =	sdelay $0x1  }
0x24d: {  	v3 =	vadd.s32 v1, v3;
	_ =	sdelay $0x2  }
0x24e: {  	[tilespmem:s26], [sflag:$0x6] =	stream.indirect_vreg.gather [hbm4b:s2+s3], $0x80, v4, vm0, $0xb8;
	[tilespmem:$0x18800] =	vst v63  }
0x24f: {  	s28 =	simm.s32 $0x18000  }
0x250: {  	[tilespmem:s28], [sflag:$0x6] =	stream.indirect_vreg.gather [hbm4b:s2+s3], $0x80, v3, vm0, $0xb8;
	[tilespmem:$0x18800] =	vst v63  }
0x251: {  	_ =	swait.ge [sflag:s16], $0x4000  }
0x252: {  	[sflag:s16] =	ssyncset.done $0x0  }
0x253: {  	s8 =	rddreg [dreg:$0xc];
	[sflag:s16] =	ssyncadd.s32 $0xFFFFC000  }
0x254: {  	[hbm4b:s8+s3] =	stream.linear.scatter [tilespmem:s31], [sflag:$0x9], $0x4000, $0x38;
	[tilespmem:$0x18800] =	vst v63  }
0x255: {  	_ =	swait.ge [sflag:s17], $0x4000  }
0x256: {  	[sflag:s17] =	ssyncset.done $0x0  }
0x257: {  	[sflag:s17] =	ssyncadd.s32 $0xFFFFC000  }
0x258: {  	v3 =	vld [tilespmem:$0x600];
	_ =	sdelay $0x4  }
0x259: {  	v48 =	vshll.u32 v3, $0x1  }
0x25a: {  	v3 =	vand.u32 $0x7, v3;
	v4 =	vand.u32 $0xFFFFFFF0, v48  }
0x25b: {  	v3 =	vor.u32 v3, v4  }
0x25c: {  	v4 =	vperm.xlane v3, v0;
	_ =	sdelay $0x1  }
0x25d: {  	v3 =	vperm.xlane v3, v2;
	v4 =	vadd.s32 v1, v4;
	_ =	sdelay $0x1  }
0x25e: {  	v3 =	vadd.s32 v1, v3;
	_ =	sdelay $0x2  }
0x25f: {  	[tilespmem:s23], [sflag:$0x1] =	stream.indirect_vreg.gather [hbm4b:s2+s3], $0x80, v4, vm0, $0xb8;
	[tilespmem:$0x18800] =	vst v63  }
0x260: {  	s28 =	simm.s32 $0x1000  }
0x261: {  	[tilespmem:s28], [sflag:$0x1] =	stream.indirect_vreg.gather [hbm4b:s2+s3], $0x80, v3, vm0, $0xb8;
	[tilespmem:$0x18800] =	vst v63  }
0x262: {  	v3 =	vld [tilespmem:$0x610];
	_ =	sdelay $0x4  }
0x263: {  	v49 =	vshll.u32 v3, $0x1  }
0x264: {  	v3 =	vand.u32 $0x7, v3;
	v4 =	vand.u32 $0xFFFFFFF0, v49  }
0x265: {  	v3 =	vor.u32 v3, v4  }
0x266: {  	v4 =	vperm.xlane v3, v0;
	_ =	sdelay $0x1  }
0x267: {  	v3 =	vperm.xlane v3, v2;
	v4 =	vadd.s32 v1, v4;
	_ =	sdelay $0x1  }
0x268: {  	v3 =	vadd.s32 v1, v3;
	_ =	sdelay $0x1  }
0x269: {  	s28 =	simm.s32 $0x1800  }
0x26a: {  	[tilespmem:s28], [sflag:$0x1] =	stream.indirect_vreg.gather [hbm4b:s2+s3], $0x80, v4, vm0, $0xb8;
	[tilespmem:$0x18800] =	vst v63  }
0x26b: {  	s28 =	simm.s32 $0x2000  }
0x26c: {  	[tilespmem:s28], [sflag:$0x1] =	stream.indirect_vreg.gather [hbm4b:s2+s3], $0x80, v3, vm0, $0xb8;
	[tilespmem:$0x18800] =	vst v63  }
0x26d: {  	v3 =	vld [tilespmem:$0x620];
	_ =	sdelay $0x4  }
0x26e: {  	v50 =	vshll.u32 v3, $0x1  }
0x26f: {  	v3 =	vand.u32 $0x7, v3;
	v4 =	vand.u32 $0xFFFFFFF0, v50  }
0x270: {  	v3 =	vor.u32 v3, v4  }
0x271: {  	v4 =	vperm.xlane v3, v0;
	_ =	sdelay $0x1  }
0x272: {  	v3 =	vperm.xlane v3, v2;
	v4 =	vadd.s32 v1, v4;
	_ =	sdelay $0x1  }
0x273: {  	v3 =	vadd.s32 v1, v3;
	_ =	sdelay $0x1  }
0x274: {  	s28 =	simm.s32 $0x2800  }
0x275: {  	[tilespmem:s28], [sflag:$0x1] =	stream.indirect_vreg.gather [hbm4b:s2+s3], $0x80, v4, vm0, $0xb8;
	[tilespmem:$0x18800] =	vst v63  }
0x276: {  	s28 =	simm.s32 $0x3000  }
0x277: {  	[tilespmem:s28], [sflag:$0x1] =	stream.indirect_vreg.gather [hbm4b:s2+s3], $0x80, v3, vm0, $0xb8;
	[tilespmem:$0x18800] =	vst v63  }
0x278: {  	v3 =	vld [tilespmem:$0x630];
	_ =	sdelay $0x4  }
0x279: {  	v51 =	vshll.u32 v3, $0x1  }
0x27a: {  	v3 =	vand.u32 $0x7, v3;
	v4 =	vand.u32 $0xFFFFFFF0, v51  }
0x27b: {  	v3 =	vor.u32 v3, v4  }
0x27c: {  	v4 =	vperm.xlane v3, v0;
	_ =	sdelay $0x1  }
0x27d: {  	v3 =	vperm.xlane v3, v2;
	v4 =	vadd.s32 v1, v4;
	_ =	sdelay $0x1  }
0x27e: {  	v3 =	vadd.s32 v1, v3;
	_ =	sdelay $0x1  }
0x27f: {  	s28 =	simm.s32 $0x3800  }
0x280: {  	[tilespmem:s28], [sflag:$0x1] =	stream.indirect_vreg.gather [hbm4b:s2+s3], $0x80, v4, vm0, $0xb8;
	[tilespmem:$0x18800] =	vst v63  }
0x281: {  	s28 =	simm.s32 $0x4000  }
0x282: {  	[tilespmem:s28], [sflag:$0x1] =	stream.indirect_vreg.gather [hbm4b:s2+s3], $0x80, v3, vm0, $0xb8;
	[tilespmem:$0x18800] =	vst v63  }
0x283: {  	_ =	swait.ge [sflag:s18], $0x4000  }
0x284: {  	[sflag:s18] =	ssyncset.done $0x0  }
0x285: {  	s8 =	rddreg [dreg:$0xd];
	[sflag:s18] =	ssyncadd.s32 $0xFFFFC000  }
0x286: {  	[hbm4b:s8+s3] =	stream.linear.scatter [tilespmem:s20], [sflag:$0xA], $0x4000, $0x38;
	[tilespmem:$0x18800] =	vst v63  }
0x287: {  	_ =	swait.ge [sflag:s19], $0x4000  }
0x288: {  	[sflag:s19] =	ssyncset.done $0x0  }
0x289: {  	[sflag:s19] =	ssyncadd.s32 $0xFFFFC000  }
0x28a: {  	v3 =	vld [tilespmem:$0x680];
	_ =	sdelay $0x4  }
0x28b: {  	v52 =	vshll.u32 v3, $0x1  }
0x28c: {  	v3 =	vand.u32 $0x7, v3;
	v4 =	vand.u32 $0xFFFFFFF0, v52  }
0x28d: {  	v3 =	vor.u32 v3, v4  }
0x28e: {  	v4 =	vperm.xlane v3, v0;
	_ =	sdelay $0x1  }
0x28f: {  	v3 =	vperm.xlane v3, v2;
	v4 =	vadd.s32 v1, v4;
	_ =	sdelay $0x1  }
0x290: {  	v3 =	vadd.s32 v1, v3;
	_ =	sdelay $0x2  }
0x291: {  	[tilespmem:s22], [sflag:$0x2] =	stream.indirect_vreg.gather [hbm4b:s2+s3], $0x80, v4, vm0, $0xb8;
	[tilespmem:$0x18800] =	vst v63  }
0x292: {  	s28 =	simm.s32 $0x5000  }
0x293: {  	[tilespmem:s28], [sflag:$0x2] =	stream.indirect_vreg.gather [hbm4b:s2+s3], $0x80, v3, vm0, $0xb8;
	[tilespmem:$0x18800] =	vst v63  }
0x294: {  	v3 =	vld [tilespmem:$0x690];
	_ =	sdelay $0x4  }
0x295: {  	v53 =	vshll.u32 v3, $0x1  }
0x296: {  	v3 =	vand.u32 $0x7, v3;
	v4 =	vand.u32 $0xFFFFFFF0, v53  }
0x297: {  	v3 =	vor.u32 v3, v4  }
0x298: {  	v4 =	vperm.xlane v3, v0;
	_ =	sdelay $0x1  }
0x299: {  	v3 =	vperm.xlane v3, v2;
	v4 =	vadd.s32 v1, v4;
	_ =	sdelay $0x1  }
0x29a: {  	v3 =	vadd.s32 v1, v3;
	_ =	sdelay $0x1  }
0x29b: {  	s28 =	simm.s32 $0x5800  }
0x29c: {  	[tilespmem:s28], [sflag:$0x2] =	stream.indirect_vreg.gather [hbm4b:s2+s3], $0x80, v4, vm0, $0xb8;
	[tilespmem:$0x18800] =	vst v63  }
0x29d: {  	s28 =	simm.s32 $0x6000  }
0x29e: {  	[tilespmem:s28], [sflag:$0x2] =	stream.indirect_vreg.gather [hbm4b:s2+s3], $0x80, v3, vm0, $0xb8;
	[tilespmem:$0x18800] =	vst v63  }
0x29f: {  	v3 =	vld [tilespmem:$0x6A0];
	_ =	sdelay $0x4  }
0x2a0: {  	v54 =	vshll.u32 v3, $0x1  }
0x2a1: {  	v3 =	vand.u32 $0x7, v3;
	v4 =	vand.u32 $0xFFFFFFF0, v54  }
0x2a2: {  	v3 =	vor.u32 v3, v4  }
0x2a3: {  	v4 =	vperm.xlane v3, v0;
	_ =	sdelay $0x1  }
0x2a4: {  	v3 =	vperm.xlane v3, v2;
	v4 =	vadd.s32 v1, v4;
	_ =	sdelay $0x1  }
0x2a5: {  	v3 =	vadd.s32 v1, v3;
	_ =	sdelay $0x1  }
0x2a6: {  	s28 =	simm.s32 $0x6800  }
0x2a7: {  	[tilespmem:s28], [sflag:$0x2] =	stream.indirect_vreg.gather [hbm4b:s2+s3], $0x80, v4, vm0, $0xb8;
	[tilespmem:$0x18800] =	vst v63  }
0x2a8: {  	s28 =	simm.s32 $0x7000  }
0x2a9: {  	[tilespmem:s28], [sflag:$0x2] =	stream.indirect_vreg.gather [hbm4b:s2+s3], $0x80, v3, vm0, $0xb8;
	[tilespmem:$0x18800] =	vst v63  }
0x2aa: {  	v3 =	vld [tilespmem:$0x6B0];
	_ =	sdelay $0x4  }
0x2ab: {  	v55 =	vshll.u32 v3, $0x1  }
0x2ac: {  	v3 =	vand.u32 $0x7, v3;
	v4 =	vand.u32 $0xFFFFFFF0, v55  }
0x2ad: {  	v3 =	vor.u32 v3, v4  }
0x2ae: {  	v4 =	vperm.xlane v3, v0;
	_ =	sdelay $0x1  }
0x2af: {  	v3 =	vperm.xlane v3, v2;
	v4 =	vadd.s32 v1, v4;
	_ =	sdelay $0x1  }
0x2b0: {  	v3 =	vadd.s32 v1, v3;
	_ =	sdelay $0x1  }
0x2b1: {  	s28 =	simm.s32 $0x7800  }
0x2b2: {  	[tilespmem:s28], [sflag:$0x2] =	stream.indirect_vreg.gather [hbm4b:s2+s3], $0x80, v4, vm0, $0xb8;
	[tilespmem:$0x18800] =	vst v63  }
0x2b3: {  	s28 =	simm.s32 $0x8000  }
0x2b4: {  	[tilespmem:s28], [sflag:$0x2] =	stream.indirect_vreg.gather [hbm4b:s2+s3], $0x80, v3, vm0, $0xb8;
	[tilespmem:$0x18800] =	vst v63  }
0x2b5: {  	_ =	swait.ge [sflag:s0], $0x4000  }
0x2b6: {  	[sflag:s0] =	ssyncset.done $0x0  }
0x2b7: {  	s8 =	rddreg [dreg:$0xe];
	[sflag:s0] =	ssyncadd.s32 $0xFFFFC000  }
0x2b8: {  	[hbm4b:s8+s3] =	stream.linear.scatter [tilespmem:s5], [sflag:$0xB], $0x4000, $0x38;
	[tilespmem:$0x18800] =	vst v63  }
0x2b9: {  	_ =	swait.ge [sflag:s21], $0x4000  }
0x2ba: {  	[sflag:s21] =	ssyncset.done $0x0  }
0x2bb: {  	[sflag:s21] =	ssyncadd.s32 $0xFFFFC000  }
0x2bc: {  	v3 =	vld [tilespmem:$0x700];
	_ =	sdelay $0x4  }
0x2bd: {  	v56 =	vshll.u32 v3, $0x1  }
0x2be: {  	v3 =	vand.u32 $0x7, v3;
	v4 =	vand.u32 $0xFFFFFFF0, v56  }
0x2bf: {  	v3 =	vor.u32 v3, v4  }
0x2c0: {  	v4 =	vperm.xlane v3, v0;
	_ =	sdelay $0x1  }
0x2c1: {  	v3 =	vperm.xlane v3, v2;
	v4 =	vadd.s32 v1, v4;
	_ =	sdelay $0x1  }
0x2c2: {  	v3 =	vadd.s32 v1, v3;
	_ =	sdelay $0x2  }
0x2c3: {  	[tilespmem:s31], [sflag:$0x3] =	stream.indirect_vreg.gather [hbm4b:s2+s3], $0x80, v4, vm0, $0xb8;
	[tilespmem:$0x18800] =	vst v63  }
0x2c4: {  	s28 =	simm.s32 $0x9000  }
0x2c5: {  	[tilespmem:s28], [sflag:$0x3] =	stream.indirect_vreg.gather [hbm4b:s2+s3], $0x80, v3, vm0, $0xb8;
	[tilespmem:$0x18800] =	vst v63  }
0x2c6: {  	v3 =	vld [tilespmem:$0x710];
	_ =	sdelay $0x4  }
0x2c7: {  	v57 =	vshll.u32 v3, $0x1  }
0x2c8: {  	v3 =	vand.u32 $0x7, v3;
	v4 =	vand.u32 $0xFFFFFFF0, v57  }
0x2c9: {  	v3 =	vor.u32 v3, v4  }
0x2ca: {  	v4 =	vperm.xlane v3, v0;
	_ =	sdelay $0x1  }
0x2cb: {  	v3 =	vperm.xlane v3, v2;
	v4 =	vadd.s32 v1, v4;
	_ =	sdelay $0x1  }
0x2cc: {  	v3 =	vadd.s32 v1, v3;
	_ =	sdelay $0x1  }
0x2cd: {  	s8 =	simm.s32 $0x9800  }
0x2ce: {  	[tilespmem:s8], [sflag:$0x3] =	stream.indirect_vreg.gather [hbm4b:s2+s3], $0x80, v4, vm0, $0xb8;
	[tilespmem:$0x18800] =	vst v63  }
0x2cf: {  	s28 =	simm.s32 $0xA000  }
0x2d0: {  	[tilespmem:s28], [sflag:$0x3] =	stream.indirect_vreg.gather [hbm4b:s2+s3], $0x80, v3, vm0, $0xb8;
	[tilespmem:$0x18800] =	vst v63  }
0x2d1: {  	v3 =	vld [tilespmem:$0x720];
	_ =	sdelay $0x4  }
0x2d2: {  	v58 =	vshll.u32 v3, $0x1  }
0x2d3: {  	v3 =	vand.u32 $0x7, v3;
	v4 =	vand.u32 $0xFFFFFFF0, v58  }
0x2d4: {  	v3 =	vor.u32 v3, v4  }
0x2d5: {  	v4 =	vperm.xlane v3, v0;
	_ =	sdelay $0x1  }
0x2d6: {  	v3 =	vperm.xlane v3, v2;
	v4 =	vadd.s32 v1, v4;
	_ =	sdelay $0x1  }
0x2d7: {  	v3 =	vadd.s32 v1, v3;
	_ =	sdelay $0x1  }
0x2d8: {  	s8 =	simm.s32 $0xA800  }
0x2d9: {  	[tilespmem:s8], [sflag:$0x3] =	stream.indirect_vreg.gather [hbm4b:s2+s3], $0x80, v4, vm0, $0xb8;
	[tilespmem:$0x18800] =	vst v63  }
0x2da: {  	s28 =	simm.s32 $0xB000  }
0x2db: {  	[tilespmem:s28], [sflag:$0x3] =	stream.indirect_vreg.gather [hbm4b:s2+s3], $0x80, v3, vm0, $0xb8;
	[tilespmem:$0x18800] =	vst v63  }
0x2dc: {  	v3 =	vld [tilespmem:$0x730];
	_ =	sdelay $0x4  }
0x2dd: {  	v59 =	vshll.u32 v3, $0x1  }
0x2de: {  	v3 =	vand.u32 $0x7, v3;
	v4 =	vand.u32 $0xFFFFFFF0, v59  }
0x2df: {  	v3 =	vor.u32 v3, v4  }
0x2e0: {  	v4 =	vperm.xlane v3, v0;
	_ =	sdelay $0x1  }
0x2e1: {  	v3 =	vperm.xlane v3, v2;
	v4 =	vadd.s32 v1, v4;
	_ =	sdelay $0x1  }
0x2e2: {  	v3 =	vadd.s32 v1, v3;
	_ =	sdelay $0x1  }
0x2e3: {  	s8 =	simm.s32 $0xB800  }
0x2e4: {  	[tilespmem:s8], [sflag:$0x3] =	stream.indirect_vreg.gather [hbm4b:s2+s3], $0x80, v4, vm0, $0xb8;
	[tilespmem:$0x18800] =	vst v63  }
0x2e5: {  	s28 =	simm.s32 $0xC000  }
0x2e6: {  	[tilespmem:s28], [sflag:$0x3] =	stream.indirect_vreg.gather [hbm4b:s2+s3], $0x80, v3, vm0, $0xb8;
	[tilespmem:$0x18800] =	vst v63  }
0x2e7: {  	_ =	swait.ge [sflag:s1], $0x4000  }
0x2e8: {  	[sflag:s1] =	ssyncset.done $0x0  }
0x2e9: {  	s8 =	rddreg [dreg:$0xf];
	[sflag:s1] =	ssyncadd.s32 $0xFFFFC000  }
0x2ea: {  	[hbm4b:s8+s3] =	stream.linear.scatter [tilespmem:s15], [sflag:$0xC], $0x4000, $0x38;
	[tilespmem:$0x18800] =	vst v63  }
0x2eb: {  	_ =	swait.ge [sflag:s24], $0x4000  }
0x2ec: {  	[sflag:s24] =	ssyncset.done $0x0  }
0x2ed: {  	[sflag:s24] =	ssyncadd.s32 $0xFFFFC000  }
0x2ee: {  	v3 =	vld [tilespmem:$0x780];
	_ =	sdelay $0x4  }
0x2ef: {  	v60 =	vshll.u32 v3, $0x1  }
0x2f0: {  	v3 =	vand.u32 $0x7, v3;
	v4 =	vand.u32 $0xFFFFFFF0, v60  }
0x2f1: {  	v3 =	vor.u32 v3, v4  }
0x2f2: {  	v4 =	vperm.xlane v3, v0;
	_ =	sdelay $0x1  }
0x2f3: {  	v3 =	vperm.xlane v3, v2;
	v4 =	vadd.s32 v1, v4;
	_ =	sdelay $0x1  }
0x2f4: {  	v3 =	vadd.s32 v1, v3;
	_ =	sdelay $0x2  }
0x2f5: {  	[tilespmem:s20], [sflag:$0x4] =	stream.indirect_vreg.gather [hbm4b:s2+s3], $0x80, v4, vm0, $0xb8;
	[tilespmem:$0x18800] =	vst v63  }
0x2f6: {  	s28 =	simm.s32 $0xD000  }
0x2f7: {  	[tilespmem:s28], [sflag:$0x4] =	stream.indirect_vreg.gather [hbm4b:s2+s3], $0x80, v3, vm0, $0xb8;
	[tilespmem:$0x18800] =	vst v63  }
0x2f8: {  	v3 =	vld [tilespmem:$0x790];
	_ =	sdelay $0x4  }
0x2f9: {  	v61 =	vshll.u32 v3, $0x1  }
0x2fa: {  	v3 =	vand.u32 $0x7, v3;
	v4 =	vand.u32 $0xFFFFFFF0, v61  }
0x2fb: {  	v3 =	vor.u32 v3, v4  }
0x2fc: {  	v4 =	vperm.xlane v3, v0;
	_ =	sdelay $0x1  }
0x2fd: {  	v3 =	vperm.xlane v3, v2;
	v4 =	vadd.s32 v1, v4;
	_ =	sdelay $0x1  }
0x2fe: {  	v3 =	vadd.s32 v1, v3;
	_ =	sdelay $0x1  }
0x2ff: {  	s1 =	simm.s32 $0xD800  }
0x300: {  	[tilespmem:s1], [sflag:$0x4] =	stream.indirect_vreg.gather [hbm4b:s2+s3], $0x80, v4, vm0, $0xb8;
	[tilespmem:$0x18800] =	vst v63  }
0x301: {  	s8 =	simm.s32 $0xE000  }
0x302: {  	[tilespmem:s8], [sflag:$0x4] =	stream.indirect_vreg.gather [hbm4b:s2+s3], $0x80, v3, vm0, $0xb8;
	[tilespmem:$0x18800] =	vst v63  }
0x303: {  	v3 =	vld [tilespmem:$0x7A0];
	_ =	sdelay $0x4  }
0x304: {  	v62 =	vshll.u32 v3, $0x1  }
0x305: {  	v3 =	vand.u32 $0x7, v3;
	v4 =	vand.u32 $0xFFFFFFF0, v62  }
0x306: {  	v3 =	vor.u32 v3, v4  }
0x307: {  	v4 =	vperm.xlane v3, v0;
	_ =	sdelay $0x1  }
0x308: {  	v3 =	vperm.xlane v3, v2;
	v4 =	vadd.s32 v1, v4;
	_ =	sdelay $0x1  }
0x309: {  	v3 =	vadd.s32 v1, v3;
	_ =	sdelay $0x1  }
0x30a: {  	s28 =	simm.s32 $0xE800  }
0x30b: {  	[tilespmem:s28], [sflag:$0x4] =	stream.indirect_vreg.gather [hbm4b:s2+s3], $0x80, v4, vm0, $0xb8;
	[tilespmem:$0x18800] =	vst v63  }
0x30c: {  	s1 =	simm.s32 $0xF000  }
0x30d: {  	[tilespmem:s1], [sflag:$0x4] =	stream.indirect_vreg.gather [hbm4b:s2+s3], $0x80, v3, vm0, $0xb8;
	[tilespmem:$0x18800] =	vst v63  }
0x30e: {  	v3 =	vld [tilespmem:$0x7B0];
	_ =	sdelay $0x4  }
0x30f: {  	v63 =	vshll.u32 v3, $0x1  }
0x310: {  	v3 =	vand.u32 $0x7, v3;
	v4 =	vand.u32 $0xFFFFFFF0, v63  }
0x311: {  	v3 =	vor.u32 v3, v4  }
0x312: {  	v4 =	vperm.xlane v3, v0;
	_ =	sdelay $0x1  }
0x313: {  	v3 =	vperm.xlane v3, v2;
	v4 =	vadd.s32 v1, v4;
	_ =	sdelay $0x1  }
0x314: {  	v3 =	vadd.s32 v1, v3;
	_ =	sdelay $0x1  }
0x315: {  	s8 =	simm.s32 $0xF800  }
0x316: {  	[tilespmem:s8], [sflag:$0x4] =	stream.indirect_vreg.gather [hbm4b:s2+s3], $0x80, v4, vm0, $0xb8;
	[tilespmem:$0x18800] =	vst v63  }
0x317: {  	s28 =	simm.s32 $0x10000  }
0x318: {  	[tilespmem:s28], [sflag:$0x4] =	stream.indirect_vreg.gather [hbm4b:s2+s3], $0x80, v3, vm0, $0xb8;
	[tilespmem:$0x18800] =	vst v63  }
0x319: {  	_ =	swait.ge [sflag:s25], $0x4000  }
0x31a: {  	[sflag:s25] =	ssyncset.done $0x0  }
0x31b: {  	s7 =	simm.s32 $0x800;
	s0 =	rddreg [dreg:$0x10];
	[sflag:s25] =	ssyncadd.s32 $0xFFFFC000  }
0x31c: {  	[hbm4b:s0+s3] =	stream.linear.scatter [tilespmem:s7], [sflag:$0x7], $0x4000, $0x38;
	[tilespmem:$0x18800] =	vst v63  }
0x31d: {  	_ =	swait.ge [sflag:s13], $0x4000  }
0x31e: {  	[sflag:s13] =	ssyncset.done $0x0  }
0x31f: {  	s1 =	rddreg [dreg:$0x11];
	[sflag:s13] =	ssyncadd.s32 $0xFFFFC000  }
0x320: {  	[hbm4b:s1+s3] =	stream.linear.scatter [tilespmem:s22], [sflag:$0x8], $0x4000, $0x38;
	[tilespmem:$0x18800] =	vst v63  }
0x321: {  	_ =	swait.ge [sflag:s16], $0x4000  }
0x322: {  	[sflag:s16] =	ssyncset.done $0x0  }
0x323: {  	s7 =	rddreg [dreg:$0x12];
	[sflag:s16] =	ssyncadd.s32 $0xFFFFC000  }
0x324: {  	[hbm4b:s7+s3] =	stream.linear.scatter [tilespmem:s31], [sflag:$0x9], $0x4000, $0x38;
	[tilespmem:$0x18800] =	vst v63  }
0x325: {  	_ =	swait.ge [sflag:s18], $0x4000  }
0x326: {  	[sflag:s18] =	ssyncset.done $0x0  }
0x327: {  	s8 =	rddreg [dreg:$0x13];
	[sflag:s18] =	ssyncadd.s32 $0xFFFFC000  }
0x328: {  	[hbm4b:s8+s3] =	stream.linear.scatter [tilespmem:s20], [sflag:$0xA], $0x4000, $0x38;
	[tilespmem:$0x18800] =	vst v63  }
0x329: {  	_ =	swait.ge [sflag:s17], $0x4000  }
0x32a: {  	[sflag:s17] =	ssyncset.done $0x0  }
0x32b: {  	[sflag:s17] =	ssyncadd.s32 $0xFFFFC000  }
0x32c: {  	_ =	swait.ge [sflag:s19], $0x4000  }
0x32d: {  	[sflag:s19] =	ssyncset.done $0x0  }
0x32e: {  	[sflag:s19] =	ssyncadd.s32 $0xFFFFC000  }
0x32f: {  	_ =	swait.ge [sflag:s21], $0x4000  }
0x330: {  	[sflag:s21] =	ssyncset.done $0x0  }
0x331: {  	[sflag:s21] =	ssyncadd.s32 $0xFFFFC000  }
0x332: {  	_ =	swait.ge [sflag:s24], $0x4000  }
0x333: {  	[sflag:s24] =	ssyncset.done $0x0  }
0x334: {  	[sflag:s24] =	ssyncadd.s32 $0xFFFFC000  }
0x335: {  	p0 =	sne.s32 s4, $0x1;
	_ =	swait.ge [sflag:s11], $0x4000  }
.Ltmp0:
0x336: {  	[sflag:s11] =	ssyncset.done $0x0;
	(pc) =	sbr.rel @p0 .LBB2_1-.Ltmp0, $4  }
0x337: {  	[sflag:s11] =	ssyncadd.s32 $0xFFFFC000  }
0x338: {  	_ =	swait.ge [sflag:s6], $0x4000  }
0x339: {  	[sflag:s6] =	ssyncset.done $0x0  }
0x33a: {  	s4 =	sadd.s32 $0xFFFFFFFF, s4;
	[sflag:s6] =	ssyncadd.s32 $0xFFFFC000  }
0x33b: {  	_ =	sfence.sel $0x180000  }
0x33c: {  	[bflag:$0x0] =	sbarrier.arrive $0xFFFF  }
0x33d: {  	_ =	strace $0x90000047  }
0x33e: {  	s0 =	stileid.u32;
	[bflag:$0x2] =	sbarrier.arrive $0xFFFF  }
0x33f: {  	p0 =	sne.s32 s0, $0x0;
	s0 =	rddreg [dreg:$0x2]  }
0x340: {  	s0 =	sadd.s32 @!p0 $0x100000, s0  }
0x341: {  	[sflag:s0] =	ssyncadd.tile.s32 @!p0 $0x1;
	_ =	shalt  }
.Lfunc_end2:
_tile_overlayer_lowered:
.L_overlay_start_2:
0x342: {  	(tag) =	ssettag $0x2  }
0x343: {  	s0 =	rddreg [dreg:$0x0];
	s2 =	stileid.u32  }
0x344: {  	s1 =	rddreg [dreg:$0x1];
	p0 =	sne.s32 s2, $0x0  }
0x345: {  	s3 =	rddreg [dreg:$0x2];
	[bflag:$0x3] =	sbarrier.arrive $0xFFFF;
	s2 =	simm.s32 @!p0 $0x1C0D  }
0x346: {  	[timem:s3], [sflag:s2] =	dma.local @!p0 [hbm:s0], s1  }
0x347: {  	s0 =	simm.s32 @!p0 $0xD  }
0x348: {  	_ =	swait.ge @!p0 [sflag:s0], s1  }
0x349: {  	s1 =	ssub.s32 @!p0 $0x0, s1;
	[sflag:s0] =	ssyncset.done @!p0 $0x0  }
0x34a: {  	[sflag:s0] =	ssyncadd.s32 @!p0 s1  }
0x34b: {  	[bflag:$0x3] =	sbarrier.arrive $0xFFFF  }
0x34c: {  	_ =	shalt  }

</sc_bundles>
